<compile_context>
chip_gen: v7x
topology: tpu7x:2x2x1
jax: 0.10.2.dev20260603
libtpu: 0.0.44.dev20260713+nightly
codegen_flags: <defaults>
</compile_context>

<pallas_src>
import functools

import jax
import jax.numpy as jnp
from jax import lax
from jax.experimental import pallas as pl
from jax.experimental.pallas import tpu as pltpu
from jax.experimental.pallas import tpu_sc as plsc

N = 4096
D = 512
H = 8
DH = D // H
NNZ_IN = 167772

ROW_BLK = 512

NS = 16
E_T = 10496
NNZ_PAD = NS * E_T
NCH = E_T // 128
STRIPE = 128
SLAB = STRIPE * N
SHARE = SLAB // NS
N_STRIPES = N // STRIPE


def _mask_body(rows_hbm, cols_hbm, bmv_hbm, amv_hbm, out_hbm,
               gbuf, cbuf, vbuf, abuf, idxc, valc, zbuf, zidx, zval, slab):
    cid = lax.axis_index("c")
    sid = lax.axis_index("s")
    base = sid * E_T
    pltpu.sync_copy(rows_hbm.at[pl.ds(base, E_T)], gbuf)
    pltpu.sync_copy(cols_hbm.at[pl.ds(base, E_T)], cbuf)
    pltpu.sync_copy(bmv_hbm.at[pl.ds(base, E_T)], vbuf)
    pltpu.sync_copy(amv_hbm.at[pl.ds(base, E_T)], abuf)

    def precompute(i, carry):
        sl = pl.ds(i * 16, 16)
        gbuf[sl] = gbuf[sl] * N + cbuf[sl]
        vbuf[sl] = vbuf[sl] * abuf[sl]
        return carry

    lax.fori_loop(0, E_T // 16, precompute, 0)

    def zinit(i, carry):
        zbuf[pl.ds(i * 16, 16)] = jnp.zeros((16,), jnp.float32)
        return carry

    lax.fori_loop(0, 16384 // 16, zinit, 0)
    for i in range(8):
        zidx[0, pl.ds(i * 16, 16)] = jnp.zeros((16,), jnp.int32)
        zval[0, pl.ds(i * 16, 16)] = jnp.zeros((16,), jnp.float32)

    def do_pass(p, carry):
        stripe = 2 * p + cid
        base_g = stripe * SLAB

        def zero_share(j, c2):
            pltpu.sync_copy(zbuf, slab.at[pl.ds(sid * SHARE + j * 16384, 16384)])
            return c2

        lax.fori_loop(0, SHARE // 16384, zero_share, 0)
        plsc.subcore_barrier()

        dump = sid * SHARE + lax.iota(jnp.int32, 16)

        def scan(j, c2):
            for jj in range(8):
                sl = pl.ds(j * 128 + jj * 16, 16)
                lidx = gbuf[sl] - base_g
                m = (lidx >= 0) & (lidx < SLAB)
                idxc[j, pl.ds(jj * 16, 16)] = jnp.where(m, lidx, dump)
                valc[j, pl.ds(jj * 16, 16)] = jnp.where(m, vbuf[sl], 0.0)
            return c2

        lax.fori_loop(0, NCH, scan, 0)

        def scatter(j, c2):
            pltpu.sync_copy(valc.at[j], slab.at[idxc.at[j]], add=True)
            return c2

        lax.fori_loop(0, NCH, scatter, 0)
        pltpu.sync_copy(zval.at[0], slab.at[zidx.at[0]], add=True)
        plsc.subcore_barrier()
        pltpu.sync_copy(slab.at[pl.ds(sid * SHARE, SHARE)],
                        out_hbm.at[pl.ds(base_g + sid * SHARE, SHARE)])
        return carry

    lax.fori_loop(0, N_STRIPES // 2, do_pass, 0)


_mask_kernel = functools.partial(
    pl.kernel,
    out_type=jax.ShapeDtypeStruct((N * N,), jnp.float32),
    mesh=plsc.VectorSubcoreMesh(core_axis_name="c", subcore_axis_name="s"),
    scratch_types=[
        pltpu.VMEM((E_T,), jnp.int32),
        pltpu.VMEM((E_T,), jnp.int32),
        pltpu.VMEM((E_T,), jnp.float32),
        pltpu.VMEM((E_T,), jnp.float32),
        pltpu.VMEM((NCH, 128), jnp.int32),
        pltpu.VMEM((NCH, 128), jnp.float32),
        pltpu.VMEM((16384,), jnp.float32),
        pltpu.VMEM((1, 128), jnp.int32),
        pltpu.VMEM((1, 128), jnp.float32),
        pltpu.VMEM_SHARED((SLAB,), jnp.float32),
    ],
)(_mask_body)


def _build_mask(rows, cols, bmv, amv):
    pad = NNZ_PAD - NNZ_IN
    rows_p = jnp.concatenate([rows, jnp.full((pad,), -1, jnp.int32)])
    cols_p = jnp.concatenate([cols, jnp.zeros((pad,), jnp.int32)])
    bmv_p = jnp.concatenate([bmv, jnp.zeros((pad,), jnp.float32)])
    amv_p = jnp.concatenate([amv, jnp.zeros((pad,), jnp.float32)])
    return _mask_kernel(rows_p, cols_p, bmv_p, amv_p).reshape(N, N)


def _ln(h, g, b):
    mu = jnp.mean(h, axis=-1, keepdims=True)
    var = jnp.mean((h - mu) ** 2, axis=-1, keepdims=True)
    return (h - mu) / jnp.sqrt(var + 1e-5) * g + b


def _qkv_body(x_ref, g_ref, b_ref, wq_ref, bq_ref, wk_ref, bk_ref, wv_ref, bv_ref,
              q_ref, k_ref, v_ref):
    xn = _ln(x_ref[...], g_ref[...], b_ref[...])
    q_ref[...] = jnp.dot(xn, wq_ref[...], preferred_element_type=jnp.float32) + bq_ref[...]
    k_ref[...] = jnp.dot(xn, wk_ref[...], preferred_element_type=jnp.float32) + bk_ref[...]
    v_ref[...] = jnp.dot(xn, wv_ref[...], preferred_element_type=jnp.float32) + bv_ref[...]


def _qkv(x, ln1_g, ln1_b, Wq, bq, Wk, bk, Wv, bv):
    grid = (N // ROW_BLK,)
    row_spec = pl.BlockSpec((ROW_BLK, D), lambda i: (i, 0))
    full_w = pl.BlockSpec((D, D), lambda i: (0, 0))
    full_b = pl.BlockSpec((D,), lambda i: (0,))
    return pl.pallas_call(
        _qkv_body,
        grid=grid,
        in_specs=[row_spec, full_b, full_b, full_w, full_b, full_w, full_b, full_w, full_b],
        out_specs=[row_spec, row_spec, row_spec],
        out_shape=[jax.ShapeDtypeStruct((N, D), jnp.float32)] * 3,
    )(x, ln1_g, ln1_b, Wq, bq, Wk, bk, Wv, bv)


def _tail_body(x_ref, ao_ref, wo_ref, bo_ref, g_ref, b_ref, w1_ref, b1_ref, w2_ref, b2_ref,
               out_ref):
    h = x_ref[...] + jnp.dot(ao_ref[...], wo_ref[...], preferred_element_type=jnp.float32) + bo_ref[...]
    hn = _ln(h, g_ref[...], b_ref[...])
    up = jax.nn.gelu(jnp.dot(hn, w1_ref[...], preferred_element_type=jnp.float32) + b1_ref[...])
    out_ref[...] = h + jnp.dot(up, w2_ref[...], preferred_element_type=jnp.float32) + b2_ref[...]


def _tail(x, attnout, Wo, bo, ln2_g, ln2_b, W1, b1, W2, b2):
    grid = (N // ROW_BLK,)
    row_spec = pl.BlockSpec((ROW_BLK, D), lambda i: (i, 0))
    return pl.pallas_call(
        _tail_body,
        grid=grid,
        in_specs=[row_spec, row_spec,
                  pl.BlockSpec((D, D), lambda i: (0, 0)),
                  pl.BlockSpec((D,), lambda i: (0,)),
                  pl.BlockSpec((D,), lambda i: (0,)),
                  pl.BlockSpec((D,), lambda i: (0,)),
                  pl.BlockSpec((D, 2 * D), lambda i: (0, 0)),
                  pl.BlockSpec((2 * D,), lambda i: (0,)),
                  pl.BlockSpec((2 * D, D), lambda i: (0, 0)),
                  pl.BlockSpec((D,), lambda i: (0,))],
        out_specs=row_spec,
        out_shape=jax.ShapeDtypeStruct((N, D), jnp.float32),
    )(x, attnout, Wo, bo, ln2_g, ln2_b, W1, b1, W2, b2)


BM = 256


def _attn_body(q_ref, k_ref, v_ref, m_ref, o_ref):
    q = q_ref[0]
    k = k_ref[0]
    v = v_ref[0]
    s = jax.lax.dot_general(q, k, (((1,), (1,)), ((), ())),
                            preferred_element_type=jnp.float32) * (1.0 / 8.0)
    mx = jnp.max(s, axis=1, keepdims=True)
    w = jnp.exp(s - mx) * m_ref[...]
    denom = jnp.sum(w, axis=1, keepdims=True) + 1e-9
    p = w / denom
    o_ref[0] = jax.lax.dot_general(p, v, (((1,), (0,)), ((), ())),
                                   preferred_element_type=jnp.float32)


def _attn(qh, kh, vh, mask):
    grid = (N // BM, H)
    return pl.pallas_call(
        _attn_body,
        grid=grid,
        in_specs=[pl.BlockSpec((1, BM, DH), lambda i, h: (h, i, 0)),
                  pl.BlockSpec((1, N, DH), lambda i, h: (h, 0, 0)),
                  pl.BlockSpec((1, N, DH), lambda i, h: (h, 0, 0)),
                  pl.BlockSpec((BM, N), lambda i, h: (i, 0))],
        out_specs=pl.BlockSpec((1, BM, DH), lambda i, h: (h, i, 0)),
        out_shape=jax.ShapeDtypeStruct((H, N, DH), jnp.float32),
    )(qh, kh, vh, mask)


def kernel(x, batch_mask_indices, batch_mask_values, attention_mask_indices, attention_mask_values, ln1_g, ln1_b, Wq, bq, Wk, bk, Wv, bv, Wo, bo, ln2_g, ln2_b, W1, b1, W2, b2):
    rows = attention_mask_indices[0]
    cols = attention_mask_indices[1]
    mask = _build_mask(rows, cols, batch_mask_values, attention_mask_values)
    q, k, v = _qkv(x, ln1_g, ln1_b, Wq, bq, Wk, bk, Wv, bv)
    qh = q.reshape(N, H, DH).transpose(1, 0, 2)
    kh = k.reshape(N, H, DH).transpose(1, 0, 2)
    vh = v.reshape(N, H, DH).transpose(1, 0, 2)
    out = _attn(qh, kh, vh, mask).transpose(1, 0, 2)
    return _tail(x, out.reshape(N, D), Wo, bo, ln2_g, ln2_b, W1, b1, W2, b2)

# --- scband reference (transcript-rebuilt; emitter-appended) ---
"""Pipeline reference for scband-point-cloud-attention-layer-77481210020635 (READ-ONLY COPY).

The authoritative reference and input builder live on the scoring server;
editing this copy changes nothing except your own understanding.
"""

import jax, jax.numpy as jnp
import numpy as np

N = 4096
D = 512
H = 8
DH = D // H
NNZ = 167772
MULT = 2


def setup_inputs(seed: int = 0) -> dict:
    key = jax.random.key(seed)
    ks = jax.random.split(key, 12)
    x = jax.random.normal(ks[0], (N, D), dtype=jnp.float32)
    idx = jax.random.randint(ks[1], (2, NNZ), 0, N)
    batch_mask_values = jax.random.uniform(ks[2], (NNZ,), dtype=jnp.float32)
    attention_mask_values = jax.random.uniform(ks[3], (NNZ,), dtype=jnp.float32)
    s = 1.0 / np.sqrt(D)
    return {
        'x': x,
        'batch_mask_indices': idx,
        'batch_mask_values': batch_mask_values,
        'attention_mask_indices': idx,
        'attention_mask_values': attention_mask_values,
        'ln1_g': jnp.ones((D,), jnp.float32),
        'ln1_b': jnp.zeros((D,), jnp.float32),
        'Wq': jax.random.normal(ks[4], (D, D), jnp.float32) * s,
        'bq': jnp.zeros((D,), jnp.float32),
        'Wk': jax.random.normal(ks[5], (D, D), jnp.float32) * s,
        'bk': jnp.zeros((D,), jnp.float32),
        'Wv': jax.random.normal(ks[6], (D, D), jnp.float32) * s,
        'bv': jnp.zeros((D,), jnp.float32),
        'Wo': jax.random.normal(ks[7], (D, D), jnp.float32) * s,
        'bo': jnp.zeros((D,), jnp.float32),
        'ln2_g': jnp.ones((D,), jnp.float32),
        'ln2_b': jnp.zeros((D,), jnp.float32),
        'W1': jax.random.normal(ks[8], (D, MULT * D), jnp.float32) * s,
        'b1': jnp.zeros((MULT * D,), jnp.float32),
        'W2': jax.random.normal(ks[9], (MULT * D, D), jnp.float32) * (1.0 / np.sqrt(MULT * D)),
        'b2': jnp.zeros((D,), jnp.float32),
    }


def _layer_norm(h, g, b):
    mu = jnp.mean(h, axis=-1, keepdims=True)
    var = jnp.mean((h - mu) ** 2, axis=-1, keepdims=True)
    return (h - mu) / jnp.sqrt(var + 1e-5) * g + b


def _forward(x, bmv, amv, ln1_g, ln1_b, Wq, bq, Wk, bk, Wv, bv, Wo, bo, ln2_g, ln2_b, W1, b1, W2, b2, rows, cols):
    # pre-norm: same normalized signal is used as source and target
    xn = _layer_norm(x, ln1_g, ln1_b)
    q = (xn @ Wq + bq).reshape(N, H, DH)
    k = (xn @ Wk + bk).reshape(N, H, DH)
    v = (xn @ Wv + bv).reshape(N, H, DH)
    # SDDMM: scores only at nonzeros of the sparse attention mask
    scores = jnp.einsum('ehd,ehd->eh', q[rows], k[cols]) / jnp.sqrt(jnp.float32(DH))
    # sparse softmax per target row, weighted by batch_mask * attention_mask values
    m = jax.ops.segment_max(scores, rows, num_segments=N)
    m = jnp.where(jnp.isfinite(m), m, 0.0)
    w = jnp.exp(scores - m[rows]) * (bmv * amv)[:, None]
    denom = jax.ops.segment_sum(w, rows, num_segments=N) + 1e-9
    attn = w / denom[rows]
    # SpMM: aggregate values
    out = jax.ops.segment_sum(attn[:, :, None] * v[cols], rows, num_segments=N)
    h = x + out.reshape(N, D) @ Wo + bo
    # transformer MLP block with pre-norm, embedding dim multiplier = 2
    hn = _layer_norm(h, ln2_g, ln2_b)
    h = h + jax.nn.gelu(hn @ W1 + b1) @ W2 + b2
    return h


def reference(x, batch_mask_indices, batch_mask_values, attention_mask_indices, attention_mask_values, ln1_g, ln1_b, Wq, bq, Wk, bk, Wv, bv, Wo, bo, ln2_g, ln2_b, W1, b1, W2, b2):
    rows = attention_mask_indices[0]
    cols = attention_mask_indices[1]
    return _forward(x, batch_mask_values, attention_mask_values, ln1_g, ln1_b, Wq, bq, Wk, bk, Wv, bv, Wo, bo, ln2_g, ln2_b, W1, b1, W2, b2, rows, cols)

if __name__ == "__main__":
    import jax
    _d = setup_inputs()
    print(jax.jit(kernel)(*tuple(_d.values())))

</pallas_src>

<mosaic_0001>
#map = affine_map<(d0, d1) -> (0)>
module attributes {stable_mosaic.version = 14 : i64} {
  func.func @_mask_body(%arg0: i32, %arg1: i32, %arg2: memref<167936xi32, #tpu.memory_space<hbm>>, %arg3: memref<167936xi32, #tpu.memory_space<hbm>>, %arg4: memref<167936xf32, #tpu.memory_space<hbm>>, %arg5: memref<167936xf32, #tpu.memory_space<hbm>>, %arg6: memref<16777216xf32, #tpu.memory_space<hbm>>, %arg7: memref<10496xi32, #tpu.memory_space<vmem>>, %arg8: memref<10496xi32, #tpu.memory_space<vmem>>, %arg9: memref<10496xf32, #tpu.memory_space<vmem>>, %arg10: memref<10496xf32, #tpu.memory_space<vmem>>, %arg11: memref<82x128xi32, #tpu.memory_space<vmem>>, %arg12: memref<82x128xf32, #tpu.memory_space<vmem>>, %arg13: memref<16384xf32, #tpu.memory_space<vmem>>, %arg14: memref<1x128xi32, #tpu.memory_space<vmem>>, %arg15: memref<1x128xf32, #tpu.memory_space<vmem>>, %arg16: memref<524288xf32, #tpu.memory_space<vmem_shared>>) attributes {dimension_semantics = [#tpu.dimension_semantics<core_parallel>, #tpu.dimension_semantics<subcore_parallel>], iteration_bounds = array<i64: 2, 16>, scalar_prefetch = 0 : i64, scratch_operands = 10 : i64, tpu.core_type = #tpu.core_type<sc_vector_subcore>, window_params = [{transform_indices = #map}, {transform_indices = #map}, {transform_indices = #map}, {transform_indices = #map}, {transform_indices = #map}]} {
    %mul3A = arith.constant 10496 : i32
    %mul3A_0 = arith.muli %arg1, %mul3A : i32
    "tpu.region"() ({
      %run_scoped3A = tpu.sem_alloc : memref<!tpu.dma_semaphore, #tpu.memory_space<semaphore_mem>>
      %dma_start3A = tpu.memref_slice %arg2[%mul3A_0] : memref<167936xi32, #tpu.memory_space<hbm>> -> memref<10496xi32, #tpu.memory_space<hbm>>
      %dma_start3A_144 = tpu.memref_slice %arg2[%mul3A_0] : memref<167936xi32, #tpu.memory_space<hbm>> -> memref<10496xi32, #tpu.memory_space<hbm>>
      tpu.enqueue_dma source(%dma_start3A_144 : memref<10496xi32, #tpu.memory_space<hbm>>) target(%arg7 : memref<10496xi32, #tpu.memory_space<vmem>>) target_semaphore(%run_scoped3A : memref<!tpu.dma_semaphore, #tpu.memory_space<semaphore_mem>>)
      %dma_wait3A = tpu.memref_slice %arg2[%mul3A_0] : memref<167936xi32, #tpu.memory_space<hbm>> -> memref<10496xi32, #tpu.memory_space<hbm>>
      %dma_wait3A_145 = tpu.memref_slice %arg2[%mul3A_0] : memref<167936xi32, #tpu.memory_space<hbm>> -> memref<10496xi32, #tpu.memory_space<hbm>>
      tpu.wait_dma2 semaphore(%run_scoped3A : memref<!tpu.dma_semaphore, #tpu.memory_space<semaphore_mem>>) src(%dma_wait3A_145 : memref<10496xi32, #tpu.memory_space<hbm>>) dst(%arg7 : memref<10496xi32, #tpu.memory_space<vmem>>)
      tpu.yield
    }) : () -> ()
    "tpu.region"() ({
      %run_scoped3A = tpu.sem_alloc : memref<!tpu.dma_semaphore, #tpu.memory_space<semaphore_mem>>
      %dma_start3A = tpu.memref_slice %arg3[%mul3A_0] : memref<167936xi32, #tpu.memory_space<hbm>> -> memref<10496xi32, #tpu.memory_space<hbm>>
      %dma_start3A_144 = tpu.memref_slice %arg3[%mul3A_0] : memref<167936xi32, #tpu.memory_space<hbm>> -> memref<10496xi32, #tpu.memory_space<hbm>>
      tpu.enqueue_dma source(%dma_start3A_144 : memref<10496xi32, #tpu.memory_space<hbm>>) target(%arg8 : memref<10496xi32, #tpu.memory_space<vmem>>) target_semaphore(%run_scoped3A : memref<!tpu.dma_semaphore, #tpu.memory_space<semaphore_mem>>)
      %dma_wait3A = tpu.memref_slice %arg3[%mul3A_0] : memref<167936xi32, #tpu.memory_space<hbm>> -> memref<10496xi32, #tpu.memory_space<hbm>>
      %dma_wait3A_145 = tpu.memref_slice %arg3[%mul3A_0] : memref<167936xi32, #tpu.memory_space<hbm>> -> memref<10496xi32, #tpu.memory_space<hbm>>
      tpu.wait_dma2 semaphore(%run_scoped3A : memref<!tpu.dma_semaphore, #tpu.memory_space<semaphore_mem>>) src(%dma_wait3A_145 : memref<10496xi32, #tpu.memory_space<hbm>>) dst(%arg8 : memref<10496xi32, #tpu.memory_space<vmem>>)
      tpu.yield
    }) : () -> ()
    "tpu.region"() ({
      %run_scoped3A = tpu.sem_alloc : memref<!tpu.dma_semaphore, #tpu.memory_space<semaphore_mem>>
      %dma_start3A = tpu.memref_slice %arg4[%mul3A_0] : memref<167936xf32, #tpu.memory_space<hbm>> -> memref<10496xf32, #tpu.memory_space<hbm>>
      %dma_start3A_144 = tpu.memref_slice %arg4[%mul3A_0] : memref<167936xf32, #tpu.memory_space<hbm>> -> memref<10496xf32, #tpu.memory_space<hbm>>
      tpu.enqueue_dma source(%dma_start3A_144 : memref<10496xf32, #tpu.memory_space<hbm>>) target(%arg9 : memref<10496xf32, #tpu.memory_space<vmem>>) target_semaphore(%run_scoped3A : memref<!tpu.dma_semaphore, #tpu.memory_space<semaphore_mem>>)
      %dma_wait3A = tpu.memref_slice %arg4[%mul3A_0] : memref<167936xf32, #tpu.memory_space<hbm>> -> memref<10496xf32, #tpu.memory_space<hbm>>
      %dma_wait3A_145 = tpu.memref_slice %arg4[%mul3A_0] : memref<167936xf32, #tpu.memory_space<hbm>> -> memref<10496xf32, #tpu.memory_space<hbm>>
      tpu.wait_dma2 semaphore(%run_scoped3A : memref<!tpu.dma_semaphore, #tpu.memory_space<semaphore_mem>>) src(%dma_wait3A_145 : memref<10496xf32, #tpu.memory_space<hbm>>) dst(%arg9 : memref<10496xf32, #tpu.memory_space<vmem>>)
      tpu.yield
    }) : () -> ()
    "tpu.region"() ({
      %run_scoped3A = tpu.sem_alloc : memref<!tpu.dma_semaphore, #tpu.memory_space<semaphore_mem>>
      %dma_start3A = tpu.memref_slice %arg5[%mul3A_0] : memref<167936xf32, #tpu.memory_space<hbm>> -> memref<10496xf32, #tpu.memory_space<hbm>>
      %dma_start3A_144 = tpu.memref_slice %arg5[%mul3A_0] : memref<167936xf32, #tpu.memory_space<hbm>> -> memref<10496xf32, #tpu.memory_space<hbm>>
      tpu.enqueue_dma source(%dma_start3A_144 : memref<10496xf32, #tpu.memory_space<hbm>>) target(%arg10 : memref<10496xf32, #tpu.memory_space<vmem>>) target_semaphore(%run_scoped3A : memref<!tpu.dma_semaphore, #tpu.memory_space<semaphore_mem>>)
      %dma_wait3A = tpu.memref_slice %arg5[%mul3A_0] : memref<167936xf32, #tpu.memory_space<hbm>> -> memref<10496xf32, #tpu.memory_space<hbm>>
      %dma_wait3A_145 = tpu.memref_slice %arg5[%mul3A_0] : memref<167936xf32, #tpu.memory_space<hbm>> -> memref<10496xf32, #tpu.memory_space<hbm>>
      tpu.wait_dma2 semaphore(%run_scoped3A : memref<!tpu.dma_semaphore, #tpu.memory_space<semaphore_mem>>) src(%dma_wait3A_145 : memref<10496xf32, #tpu.memory_space<hbm>>) dst(%arg10 : memref<10496xf32, #tpu.memory_space<vmem>>)
      tpu.yield
    }) : () -> ()
    %scan3A = arith.constant 0 : i32
    %scan3A_1 = arith.constant 0 : i32
    %scan3A_2 = arith.constant 656 : i32
    %scan3A_3 = arith.addi %scan3A_1, %scan3A_2 : i32
    %scan3A_4 = arith.constant 1 : i32
    scf.for %scan3A_144 = %scan3A_1 to %scan3A_3 step %scan3A_4  : i32 {
      %mul3A_145 = arith.constant 16 : i32
      %mul3A_146 = arith.muli %scan3A_144, %mul3A_145 : i32
      %get3A = arith.index_cast %mul3A_146 : i32 to index
      %get3A_147 = tpu.vector_load %arg7[%get3A] {strides = array<i32>} : memref<10496xi32, #tpu.memory_space<vmem>>, vector<16xi32>,
      %get3A_148 = vector.shape_cast %get3A_147 : vector<16xi32> to vector<16xi32>
      %mul3A_149 = arith.constant 4096 : i32
      %mul3A_150 = vector.broadcast %mul3A_149 : i32 to vector<16xi32>
      %mul3A_151 = arith.muli %get3A_148, %mul3A_150 : vector<16xi32>
      %get3A_152 = arith.index_cast %mul3A_146 : i32 to index
      %get3A_153 = tpu.vector_load %arg8[%get3A_152] {strides = array<i32>} : memref<10496xi32, #tpu.memory_space<vmem>>, vector<16xi32>,
      %get3A_154 = vector.shape_cast %get3A_153 : vector<16xi32> to vector<16xi32>
      %add3A = arith.addi %mul3A_151, %get3A_154 : vector<16xi32>
      %swap3A_155 = arith.index_cast %mul3A_146 : i32 to index
      %swap3A_156 = tpu.vector_load %arg7[%swap3A_155] {strides = array<i32>} : memref<10496xi32, #tpu.memory_space<vmem>>, vector<16xi32>,
      %swap3A_157 = vector.shape_cast %swap3A_156 : vector<16xi32> to vector<16xi32>
      %swap3A_158 = vector.shape_cast %add3A : vector<16xi32> to vector<16xi32>
      tpu.vector_store %arg7[%swap3A_155], %swap3A_158 {strides = array<i32>} : memref<10496xi32, #tpu.memory_space<vmem>>, vector<16xi32>,
      %get3A_159 = arith.index_cast %mul3A_146 : i32 to index
      %get3A_160 = tpu.vector_load %arg9[%get3A_159] {strides = array<i32>} : memref<10496xf32, #tpu.memory_space<vmem>>, vector<16xf32>,
      %get3A_161 = vector.shape_cast %get3A_160 : vector<16xf32> to vector<16xf32>
      %get3A_162 = arith.index_cast %mul3A_146 : i32 to index
      %get3A_163 = tpu.vector_load %arg10[%get3A_162] {strides = array<i32>} : memref<10496xf32, #tpu.memory_space<vmem>>, vector<16xf32>,
      %get3A_164 = vector.shape_cast %get3A_163 : vector<16xf32> to vector<16xf32>
      %mul3A_165 = arith.mulf %get3A_161, %get3A_164 : vector<16xf32>
      %swap3A_166 = arith.index_cast %mul3A_146 : i32 to index
      %swap3A_167 = tpu.vector_load %arg9[%swap3A_166] {strides = array<i32>} : memref<10496xf32, #tpu.memory_space<vmem>>, vector<16xf32>,
      %swap3A_168 = vector.shape_cast %swap3A_167 : vector<16xf32> to vector<16xf32>
      %swap3A_169 = vector.shape_cast %mul3A_165 : vector<16xf32> to vector<16xf32>
      tpu.vector_store %arg9[%swap3A_166], %swap3A_169 {strides = array<i32>} : memref<10496xf32, #tpu.memory_space<vmem>>, vector<16xf32>,
    }
    %scan3A_5 = arith.constant 656 : i32
    %scan3A_6 = arith.constant 0 : i32
    %scan3A_7 = arith.constant 0 : i32
    %scan3A_8 = arith.constant 1024 : i32
    %scan3A_9 = arith.addi %scan3A_7, %scan3A_8 : i32
    %scan3A_10 = arith.constant 1 : i32
    scf.for %scan3A_144 = %scan3A_7 to %scan3A_9 step %scan3A_10  : i32 {
      %broadcast_in_dim3A_145 = arith.constant 0.000000e+00 : f32
      %broadcast_in_dim3A_146 = vector.broadcast %broadcast_in_dim3A_145 : f32 to vector<16xf32>
      %mul3A_147 = arith.constant 16 : i32
      %mul3A_148 = arith.muli %scan3A_144, %mul3A_147 : i32
      %swap3A_149 = arith.index_cast %mul3A_148 : i32 to index
      %swap3A_150 = tpu.vector_load %arg13[%swap3A_149] {strides = array<i32>} : memref<16384xf32, #tpu.memory_space<vmem>>, vector<16xf32>,
      %swap3A_151 = vector.shape_cast %swap3A_150 : vector<16xf32> to vector<16xf32>
      %swap3A_152 = vector.shape_cast %broadcast_in_dim3A_146 : vector<16xf32> to vector<16xf32>
      tpu.vector_store %arg13[%swap3A_149], %swap3A_152 {strides = array<i32>} : memref<16384xf32, #tpu.memory_space<vmem>>, vector<16xf32>,
    }
    %scan3A_11 = arith.constant 1024 : i32
    %broadcast_in_dim3A = arith.constant 0 : i32
    %broadcast_in_dim3A_12 = vector.broadcast %broadcast_in_dim3A : i32 to vector<16xi32>
    %swap3A = arith.constant 0 : i32
    %swap3A_13 = arith.index_cast %swap3A : i32 to index
    %swap3A_14 = arith.constant 0 : index
    %swap3A_15 = tpu.vector_load %arg14[%swap3A_13, %swap3A_14] {strides = array<i32>} : memref<1x128xi32, #tpu.memory_space<vmem>>, vector<1x16xi32>,
    %swap3A_16 = vector.shape_cast %swap3A_15 : vector<1x16xi32> to vector<16xi32>
    %swap3A_17 = vector.shape_cast %broadcast_in_dim3A_12 : vector<16xi32> to vector<1x16xi32>
    tpu.vector_store %arg14[%swap3A_13, %swap3A_14], %swap3A_17 {strides = array<i32>} : memref<1x128xi32, #tpu.memory_space<vmem>>, vector<1x16xi32>,
    %broadcast_in_dim3A_18 = arith.constant 0.000000e+00 : f32
    %broadcast_in_dim3A_19 = vector.broadcast %broadcast_in_dim3A_18 : f32 to vector<16xf32>
    %swap3A_20 = arith.constant 0 : i32
    %swap3A_21 = arith.index_cast %swap3A_20 : i32 to index
    %swap3A_22 = arith.constant 0 : index
    %swap3A_23 = tpu.vector_load %arg15[%swap3A_21, %swap3A_22] {strides = array<i32>} : memref<1x128xf32, #tpu.memory_space<vmem>>, vector<1x16xf32>,
    %swap3A_24 = vector.shape_cast %swap3A_23 : vector<1x16xf32> to vector<16xf32>
    %swap3A_25 = vector.shape_cast %broadcast_in_dim3A_19 : vector<16xf32> to vector<1x16xf32>
    tpu.vector_store %arg15[%swap3A_21, %swap3A_22], %swap3A_25 {strides = array<i32>} : memref<1x128xf32, #tpu.memory_space<vmem>>, vector<1x16xf32>,
    %broadcast_in_dim3A_26 = arith.constant 0 : i32
    %broadcast_in_dim3A_27 = vector.broadcast %broadcast_in_dim3A_26 : i32 to vector<16xi32>
    %swap3A_28 = arith.constant 0 : i32
    %swap3A_29 = arith.index_cast %swap3A_28 : i32 to index
    %swap3A_30 = arith.constant 16 : index
    %swap3A_31 = tpu.vector_load %arg14[%swap3A_29, %swap3A_30] {strides = array<i32>} : memref<1x128xi32, #tpu.memory_space<vmem>>, vector<1x16xi32>,
    %swap3A_32 = vector.shape_cast %swap3A_31 : vector<1x16xi32> to vector<16xi32>
    %swap3A_33 = vector.shape_cast %broadcast_in_dim3A_27 : vector<16xi32> to vector<1x16xi32>
    tpu.vector_store %arg14[%swap3A_29, %swap3A_30], %swap3A_33 {strides = array<i32>} : memref<1x128xi32, #tpu.memory_space<vmem>>, vector<1x16xi32>,
    %broadcast_in_dim3A_34 = arith.constant 0.000000e+00 : f32
    %broadcast_in_dim3A_35 = vector.broadcast %broadcast_in_dim3A_34 : f32 to vector<16xf32>
    %swap3A_36 = arith.constant 0 : i32
    %swap3A_37 = arith.index_cast %swap3A_36 : i32 to index
    %swap3A_38 = arith.constant 16 : index
    %swap3A_39 = tpu.vector_load %arg15[%swap3A_37, %swap3A_38] {strides = array<i32>} : memref<1x128xf32, #tpu.memory_space<vmem>>, vector<1x16xf32>,
    %swap3A_40 = vector.shape_cast %swap3A_39 : vector<1x16xf32> to vector<16xf32>
    %swap3A_41 = vector.shape_cast %broadcast_in_dim3A_35 : vector<16xf32> to vector<1x16xf32>
    tpu.vector_store %arg15[%swap3A_37, %swap3A_38], %swap3A_41 {strides = array<i32>} : memref<1x128xf32, #tpu.memory_space<vmem>>, vector<1x16xf32>,
    %broadcast_in_dim3A_42 = arith.constant 0 : i32
    %broadcast_in_dim3A_43 = vector.broadcast %broadcast_in_dim3A_42 : i32 to vector<16xi32>
    %swap3A_44 = arith.constant 0 : i32
    %swap3A_45 = arith.index_cast %swap3A_44 : i32 to index
    %swap3A_46 = arith.constant 32 : index
    %swap3A_47 = tpu.vector_load %arg14[%swap3A_45, %swap3A_46] {strides = array<i32>} : memref<1x128xi32, #tpu.memory_space<vmem>>, vector<1x16xi32>,
    %swap3A_48 = vector.shape_cast %swap3A_47 : vector<1x16xi32> to vector<16xi32>
    %swap3A_49 = vector.shape_cast %broadcast_in_dim3A_43 : vector<16xi32> to vector<1x16xi32>
    tpu.vector_store %arg14[%swap3A_45, %swap3A_46], %swap3A_49 {strides = array<i32>} : memref<1x128xi32, #tpu.memory_space<vmem>>, vector<1x16xi32>,
    %broadcast_in_dim3A_50 = arith.constant 0.000000e+00 : f32
    %broadcast_in_dim3A_51 = vector.broadcast %broadcast_in_dim3A_50 : f32 to vector<16xf32>
    %swap3A_52 = arith.constant 0 : i32
    %swap3A_53 = arith.index_cast %swap3A_52 : i32 to index
    %swap3A_54 = arith.constant 32 : index
    %swap3A_55 = tpu.vector_load %arg15[%swap3A_53, %swap3A_54] {strides = array<i32>} : memref<1x128xf32, #tpu.memory_space<vmem>>, vector<1x16xf32>,
    %swap3A_56 = vector.shape_cast %swap3A_55 : vector<1x16xf32> to vector<16xf32>
    %swap3A_57 = vector.shape_cast %broadcast_in_dim3A_51 : vector<16xf32> to vector<1x16xf32>
    tpu.vector_store %arg15[%swap3A_53, %swap3A_54], %swap3A_57 {strides = array<i32>} : memref<1x128xf32, #tpu.memory_space<vmem>>, vector<1x16xf32>,
    %broadcast_in_dim3A_58 = arith.constant 0 : i32
    %broadcast_in_dim3A_59 = vector.broadcast %broadcast_in_dim3A_58 : i32 to vector<16xi32>
    %swap3A_60 = arith.constant 0 : i32
    %swap3A_61 = arith.index_cast %swap3A_60 : i32 to index
    %swap3A_62 = arith.constant 48 : index
    %swap3A_63 = tpu.vector_load %arg14[%swap3A_61, %swap3A_62] {strides = array<i32>} : memref<1x128xi32, #tpu.memory_space<vmem>>, vector<1x16xi32>,
    %swap3A_64 = vector.shape_cast %swap3A_63 : vector<1x16xi32> to vector<16xi32>
    %swap3A_65 = vector.shape_cast %broadcast_in_dim3A_59 : vector<16xi32> to vector<1x16xi32>
    tpu.vector_store %arg14[%swap3A_61, %swap3A_62], %swap3A_65 {strides = array<i32>} : memref<1x128xi32, #tpu.memory_space<vmem>>, vector<1x16xi32>,
    %broadcast_in_dim3A_66 = arith.constant 0.000000e+00 : f32
    %broadcast_in_dim3A_67 = vector.broadcast %broadcast_in_dim3A_66 : f32 to vector<16xf32>
    %swap3A_68 = arith.constant 0 : i32
    %swap3A_69 = arith.index_cast %swap3A_68 : i32 to index
    %swap3A_70 = arith.constant 48 : index
    %swap3A_71 = tpu.vector_load %arg15[%swap3A_69, %swap3A_70] {strides = array<i32>} : memref<1x128xf32, #tpu.memory_space<vmem>>, vector<1x16xf32>,
    %swap3A_72 = vector.shape_cast %swap3A_71 : vector<1x16xf32> to vector<16xf32>
    %swap3A_73 = vector.shape_cast %broadcast_in_dim3A_67 : vector<16xf32> to vector<1x16xf32>
    tpu.vector_store %arg15[%swap3A_69, %swap3A_70], %swap3A_73 {strides = array<i32>} : memref<1x128xf32, #tpu.memory_space<vmem>>, vector<1x16xf32>,
    %broadcast_in_dim3A_74 = arith.constant 0 : i32
    %broadcast_in_dim3A_75 = vector.broadcast %broadcast_in_dim3A_74 : i32 to vector<16xi32>
    %swap3A_76 = arith.constant 0 : i32
    %swap3A_77 = arith.index_cast %swap3A_76 : i32 to index
    %swap3A_78 = arith.constant 64 : index
    %swap3A_79 = tpu.vector_load %arg14[%swap3A_77, %swap3A_78] {strides = array<i32>} : memref<1x128xi32, #tpu.memory_space<vmem>>, vector<1x16xi32>,
    %swap3A_80 = vector.shape_cast %swap3A_79 : vector<1x16xi32> to vector<16xi32>
    %swap3A_81 = vector.shape_cast %broadcast_in_dim3A_75 : vector<16xi32> to vector<1x16xi32>
    tpu.vector_store %arg14[%swap3A_77, %swap3A_78], %swap3A_81 {strides = array<i32>} : memref<1x128xi32, #tpu.memory_space<vmem>>, vector<1x16xi32>,
    %broadcast_in_dim3A_82 = arith.constant 0.000000e+00 : f32
    %broadcast_in_dim3A_83 = vector.broadcast %broadcast_in_dim3A_82 : f32 to vector<16xf32>
    %swap3A_84 = arith.constant 0 : i32
    %swap3A_85 = arith.index_cast %swap3A_84 : i32 to index
    %swap3A_86 = arith.constant 64 : index
    %swap3A_87 = tpu.vector_load %arg15[%swap3A_85, %swap3A_86] {strides = array<i32>} : memref<1x128xf32, #tpu.memory_space<vmem>>, vector<1x16xf32>,
    %swap3A_88 = vector.shape_cast %swap3A_87 : vector<1x16xf32> to vector<16xf32>
    %swap3A_89 = vector.shape_cast %broadcast_in_dim3A_83 : vector<16xf32> to vector<1x16xf32>
    tpu.vector_store %arg15[%swap3A_85, %swap3A_86], %swap3A_89 {strides = array<i32>} : memref<1x128xf32, #tpu.memory_space<vmem>>, vector<1x16xf32>,
    %broadcast_in_dim3A_90 = arith.constant 0 : i32
    %broadcast_in_dim3A_91 = vector.broadcast %broadcast_in_dim3A_90 : i32 to vector<16xi32>
    %swap3A_92 = arith.constant 0 : i32
    %swap3A_93 = arith.index_cast %swap3A_92 : i32 to index
    %swap3A_94 = arith.constant 80 : index
    %swap3A_95 = tpu.vector_load %arg14[%swap3A_93, %swap3A_94] {strides = array<i32>} : memref<1x128xi32, #tpu.memory_space<vmem>>, vector<1x16xi32>,
    %swap3A_96 = vector.shape_cast %swap3A_95 : vector<1x16xi32> to vector<16xi32>
    %swap3A_97 = vector.shape_cast %broadcast_in_dim3A_91 : vector<16xi32> to vector<1x16xi32>
    tpu.vector_store %arg14[%swap3A_93, %swap3A_94], %swap3A_97 {strides = array<i32>} : memref<1x128xi32, #tpu.memory_space<vmem>>, vector<1x16xi32>,
    %broadcast_in_dim3A_98 = arith.constant 0.000000e+00 : f32
    %broadcast_in_dim3A_99 = vector.broadcast %broadcast_in_dim3A_98 : f32 to vector<16xf32>
    %swap3A_100 = arith.constant 0 : i32
    %swap3A_101 = arith.index_cast %swap3A_100 : i32 to index
    %swap3A_102 = arith.constant 80 : index
    %swap3A_103 = tpu.vector_load %arg15[%swap3A_101, %swap3A_102] {strides = array<i32>} : memref<1x128xf32, #tpu.memory_space<vmem>>, vector<1x16xf32>,
    %swap3A_104 = vector.shape_cast %swap3A_103 : vector<1x16xf32> to vector<16xf32>
    %swap3A_105 = vector.shape_cast %broadcast_in_dim3A_99 : vector<16xf32> to vector<1x16xf32>
    tpu.vector_store %arg15[%swap3A_101, %swap3A_102], %swap3A_105 {strides = array<i32>} : memref<1x128xf32, #tpu.memory_space<vmem>>, vector<1x16xf32>,
    %broadcast_in_dim3A_106 = arith.constant 0 : i32
    %broadcast_in_dim3A_107 = vector.broadcast %broadcast_in_dim3A_106 : i32 to vector<16xi32>
    %swap3A_108 = arith.constant 0 : i32
    %swap3A_109 = arith.index_cast %swap3A_108 : i32 to index
    %swap3A_110 = arith.constant 96 : index
    %swap3A_111 = tpu.vector_load %arg14[%swap3A_109, %swap3A_110] {strides = array<i32>} : memref<1x128xi32, #tpu.memory_space<vmem>>, vector<1x16xi32>,
    %swap3A_112 = vector.shape_cast %swap3A_111 : vector<1x16xi32> to vector<16xi32>
    %swap3A_113 = vector.shape_cast %broadcast_in_dim3A_107 : vector<16xi32> to vector<1x16xi32>
    tpu.vector_store %arg14[%swap3A_109, %swap3A_110], %swap3A_113 {strides = array<i32>} : memref<1x128xi32, #tpu.memory_space<vmem>>, vector<1x16xi32>,
    %broadcast_in_dim3A_114 = arith.constant 0.000000e+00 : f32
    %broadcast_in_dim3A_115 = vector.broadcast %broadcast_in_dim3A_114 : f32 to vector<16xf32>
    %swap3A_116 = arith.constant 0 : i32
    %swap3A_117 = arith.index_cast %swap3A_116 : i32 to index
    %swap3A_118 = arith.constant 96 : index
    %swap3A_119 = tpu.vector_load %arg15[%swap3A_117, %swap3A_118] {strides = array<i32>} : memref<1x128xf32, #tpu.memory_space<vmem>>, vector<1x16xf32>,
    %swap3A_120 = vector.shape_cast %swap3A_119 : vector<1x16xf32> to vector<16xf32>
    %swap3A_121 = vector.shape_cast %broadcast_in_dim3A_115 : vector<16xf32> to vector<1x16xf32>
    tpu.vector_store %arg15[%swap3A_117, %swap3A_118], %swap3A_121 {strides = array<i32>} : memref<1x128xf32, #tpu.memory_space<vmem>>, vector<1x16xf32>,
    %broadcast_in_dim3A_122 = arith.constant 0 : i32
    %broadcast_in_dim3A_123 = vector.broadcast %broadcast_in_dim3A_122 : i32 to vector<16xi32>
    %swap3A_124 = arith.constant 0 : i32
    %swap3A_125 = arith.index_cast %swap3A_124 : i32 to index
    %swap3A_126 = arith.constant 112 : index
    %swap3A_127 = tpu.vector_load %arg14[%swap3A_125, %swap3A_126] {strides = array<i32>} : memref<1x128xi32, #tpu.memory_space<vmem>>, vector<1x16xi32>,
    %swap3A_128 = vector.shape_cast %swap3A_127 : vector<1x16xi32> to vector<16xi32>
    %swap3A_129 = vector.shape_cast %broadcast_in_dim3A_123 : vector<16xi32> to vector<1x16xi32>
    tpu.vector_store %arg14[%swap3A_125, %swap3A_126], %swap3A_129 {strides = array<i32>} : memref<1x128xi32, #tpu.memory_space<vmem>>, vector<1x16xi32>,
    %broadcast_in_dim3A_130 = arith.constant 0.000000e+00 : f32
    %broadcast_in_dim3A_131 = vector.broadcast %broadcast_in_dim3A_130 : f32 to vector<16xf32>
    %swap3A_132 = arith.constant 0 : i32
    %swap3A_133 = arith.index_cast %swap3A_132 : i32 to index
    %swap3A_134 = arith.constant 112 : index
    %swap3A_135 = tpu.vector_load %arg15[%swap3A_133, %swap3A_134] {strides = array<i32>} : memref<1x128xf32, #tpu.memory_space<vmem>>, vector<1x16xf32>,
    %swap3A_136 = vector.shape_cast %swap3A_135 : vector<1x16xf32> to vector<16xf32>
    %swap3A_137 = vector.shape_cast %broadcast_in_dim3A_131 : vector<16xf32> to vector<1x16xf32>
    tpu.vector_store %arg15[%swap3A_133, %swap3A_134], %swap3A_137 {strides = array<i32>} : memref<1x128xf32, #tpu.memory_space<vmem>>, vector<1x16xf32>,
    %scan3A_138 = arith.constant 0 : i32
    %scan3A_139 = arith.constant 0 : i32
    %scan3A_140 = arith.constant 16 : i32
    %scan3A_141 = arith.addi %scan3A_139, %scan3A_140 : i32
    %scan3A_142 = arith.constant 1 : i32
    scf.for %scan3A_144 = %scan3A_139 to %scan3A_141 step %scan3A_142  : i32 {
      %mul3A_145 = arith.constant 2 : i32
      %mul3A_146 = arith.muli %mul3A_145, %scan3A_144 : i32
      %add3A = arith.addi %mul3A_146, %arg0 : i32
      %mul3A_147 = arith.constant 524288 : i32
      %mul3A_148 = arith.muli %add3A, %mul3A_147 : i32
      %scan3A_149 = arith.constant 0 : i32
      %scan3A_150 = arith.constant 0 : i32
      %scan3A_151 = arith.constant 2 : i32
      %scan3A_152 = arith.addi %scan3A_150, %scan3A_151 : i32
      %scan3A_153 = arith.constant 1 : i32
      scf.for %scan3A_178 = %scan3A_150 to %scan3A_152 step %scan3A_153  : i32 {
        %mul3A_179 = arith.constant 32768 : i32
        %mul3A_180 = arith.muli %arg1, %mul3A_179 : i32
        %mul3A_181 = arith.constant 16384 : i32
        %mul3A_182 = arith.muli %scan3A_178, %mul3A_181 : i32
        %add3A_183 = arith.addi %mul3A_180, %mul3A_182 : i32
        "tpu.region"() ({
          %run_scoped3A_184 = tpu.sem_alloc : memref<!tpu.dma_semaphore, #tpu.memory_space<semaphore_mem>>
          %dma_start3A = tpu.memref_slice %arg16[%add3A_183] : memref<524288xf32, #tpu.memory_space<vmem_shared>> -> memref<16384xf32, #tpu.memory_space<vmem_shared>>
          %dma_start3A_185 = tpu.memref_slice %arg16[%add3A_183] : memref<524288xf32, #tpu.memory_space<vmem_shared>> -> memref<16384xf32, #tpu.memory_space<vmem_shared>>
          tpu.enqueue_dma source(%arg13 : memref<16384xf32, #tpu.memory_space<vmem>>) target(%dma_start3A_185 : memref<16384xf32, #tpu.memory_space<vmem_shared>>) target_semaphore(%run_scoped3A_184 : memref<!tpu.dma_semaphore, #tpu.memory_space<semaphore_mem>>)
          %dma_wait3A = tpu.memref_slice %arg16[%add3A_183] : memref<524288xf32, #tpu.memory_space<vmem_shared>> -> memref<16384xf32, #tpu.memory_space<vmem_shared>>
          %dma_wait3A_186 = tpu.memref_slice %arg16[%add3A_183] : memref<524288xf32, #tpu.memory_space<vmem_shared>> -> memref<16384xf32, #tpu.memory_space<vmem_shared>>
          tpu.wait_dma2 semaphore(%run_scoped3A_184 : memref<!tpu.dma_semaphore, #tpu.memory_space<semaphore_mem>>) src(%arg13 : memref<16384xf32, #tpu.memory_space<vmem>>) dst(%dma_wait3A_186 : memref<16384xf32, #tpu.memory_space<vmem_shared>>)
          tpu.yield
        }) : () -> ()
      }
      %scan3A_154 = arith.constant 2 : i32
      %barrier3A = arith.constant 0 : index
      tpu.barrier barrier_id(%barrier3A)
      %mul3A_155 = arith.constant 32768 : i32
      %mul3A_156 = arith.muli %arg1, %mul3A_155 : i32
      %iota3A = tpu.iota {dimensions = array<i32: 0>} : vector<16xi32>
      %add3A_157 = vector.broadcast %mul3A_156 : i32 to vector<16xi32>
      %add3A_158 = arith.addi %add3A_157, %iota3A : vector<16xi32>
      %scan3A_159 = arith.constant 0 : i32
      %scan3A_160 = arith.constant 0 : i32
      %scan3A_161 = arith.constant 82 : i32
      %scan3A_162 = arith.addi %scan3A_160, %scan3A_161 : i32
      %scan3A_163 = arith.constant 1 : i32
      scf.for %scan3A_178 = %scan3A_160 to %scan3A_162 step %scan3A_163  : i32 {
        %mul3A_179 = arith.constant 128 : i32
        %mul3A_180 = arith.muli %scan3A_178, %mul3A_179 : i32
        %add3A_181 = arith.constant 0 : i32
        %add3A_182 = arith.addi %mul3A_180, %add3A_181 : i32
        %get3A = arith.index_cast %add3A_182 : i32 to index
        %get3A_183 = tpu.vector_load %arg7[%get3A] {strides = array<i32>} : memref<10496xi32, #tpu.memory_space<vmem>>, vector<16xi32>,
        %get3A_184 = vector.shape_cast %get3A_183 : vector<16xi32> to vector<16xi32>
        %sub3A = vector.broadcast %mul3A_148 : i32 to vector<16xi32>
        %sub3A_185 = arith.subi %get3A_184, %sub3A : vector<16xi32>
        %ge3A = arith.constant 0 : i32
        %ge3A_186 = vector.broadcast %ge3A : i32 to vector<16xi32>
        %ge3A_187 = arith.cmpi sge, %sub3A_185, %ge3A_186 : vector<16xi32>
        %lt3A = arith.constant 524288 : i32
        %lt3A_188 = vector.broadcast %lt3A : i32 to vector<16xi32>
        %lt3A_189 = arith.cmpi slt, %sub3A_185, %lt3A_188 : vector<16xi32>
        %and3A = arith.andi %ge3A_187, %lt3A_189 : vector<16xi1>
        %select_n3A = arith.select %and3A, %sub3A_185, %add3A_158 : vector<16xi1>, vector<16xi32>
        %swap3A_190 = arith.index_cast %scan3A_178 : i32 to index
        %swap3A_191 = arith.constant 0 : index
        %swap3A_192 = tpu.vector_load %arg11[%swap3A_190, %swap3A_191] {strides = array<i32>} : memref<82x128xi32, #tpu.memory_space<vmem>>, vector<1x16xi32>,
        %swap3A_193 = vector.shape_cast %swap3A_192 : vector<1x16xi32> to vector<16xi32>
        %swap3A_194 = vector.shape_cast %select_n3A : vector<16xi32> to vector<1x16xi32>
        tpu.vector_store %arg11[%swap3A_190, %swap3A_191], %swap3A_194 {strides = array<i32>} : memref<82x128xi32, #tpu.memory_space<vmem>>, vector<1x16xi32>,
        %get3A_195 = arith.index_cast %add3A_182 : i32 to index
        %get3A_196 = tpu.vector_load %arg9[%get3A_195] {strides = array<i32>} : memref<10496xf32, #tpu.memory_space<vmem>>, vector<16xf32>,
        %get3A_197 = vector.shape_cast %get3A_196 : vector<16xf32> to vector<16xf32>
        %jit3A = arith.constant 0.000000e+00 : f32
        %broadcast_in_dim3A_198 = vector.broadcast %jit3A : f32 to vector<16xf32>
        %select_n3A_199 = arith.select %and3A, %get3A_197, %broadcast_in_dim3A_198 : vector<16xi1>, vector<16xf32>
        %swap3A_200 = arith.index_cast %scan3A_178 : i32 to index
        %swap3A_201 = arith.constant 0 : index
        %swap3A_202 = tpu.vector_load %arg12[%swap3A_200, %swap3A_201] {strides = array<i32>} : memref<82x128xf32, #tpu.memory_space<vmem>>, vector<1x16xf32>,
        %swap3A_203 = vector.shape_cast %swap3A_202 : vector<1x16xf32> to vector<16xf32>
        %swap3A_204 = vector.shape_cast %select_n3A_199 : vector<16xf32> to vector<1x16xf32>
        tpu.vector_store %arg12[%swap3A_200, %swap3A_201], %swap3A_204 {strides = array<i32>} : memref<82x128xf32, #tpu.memory_space<vmem>>, vector<1x16xf32>,
        %mul3A_205 = arith.constant 128 : i32
        %mul3A_206 = arith.muli %scan3A_178, %mul3A_205 : i32
        %add3A_207 = arith.constant 16 : i32
        %add3A_208 = arith.addi %mul3A_206, %add3A_207 : i32
        %get3A_209 = arith.index_cast %add3A_208 : i32 to index
        %get3A_210 = tpu.vector_load %arg7[%get3A_209] {strides = array<i32>} : memref<10496xi32, #tpu.memory_space<vmem>>, vector<16xi32>,
        %get3A_211 = vector.shape_cast %get3A_210 : vector<16xi32> to vector<16xi32>
        %sub3A_212 = vector.broadcast %mul3A_148 : i32 to vector<16xi32>
        %sub3A_213 = arith.subi %get3A_211, %sub3A_212 : vector<16xi32>
        %ge3A_214 = arith.constant 0 : i32
        %ge3A_215 = vector.broadcast %ge3A_214 : i32 to vector<16xi32>
        %ge3A_216 = arith.cmpi sge, %sub3A_213, %ge3A_215 : vector<16xi32>
        %lt3A_217 = arith.constant 524288 : i32
        %lt3A_218 = vector.broadcast %lt3A_217 : i32 to vector<16xi32>
        %lt3A_219 = arith.cmpi slt, %sub3A_213, %lt3A_218 : vector<16xi32>
        %and3A_220 = arith.andi %ge3A_216, %lt3A_219 : vector<16xi1>
        %select_n3A_221 = arith.select %and3A_220, %sub3A_213, %add3A_158 : vector<16xi1>, vector<16xi32>
        %swap3A_222 = arith.index_cast %scan3A_178 : i32 to index
        %swap3A_223 = arith.constant 16 : index
        %swap3A_224 = tpu.vector_load %arg11[%swap3A_222, %swap3A_223] {strides = array<i32>} : memref<82x128xi32, #tpu.memory_space<vmem>>, vector<1x16xi32>,
        %swap3A_225 = vector.shape_cast %swap3A_224 : vector<1x16xi32> to vector<16xi32>
        %swap3A_226 = vector.shape_cast %select_n3A_221 : vector<16xi32> to vector<1x16xi32>
        tpu.vector_store %arg11[%swap3A_222, %swap3A_223], %swap3A_226 {strides = array<i32>} : memref<82x128xi32, #tpu.memory_space<vmem>>, vector<1x16xi32>,
        %get3A_227 = arith.index_cast %add3A_208 : i32 to index
        %get3A_228 = tpu.vector_load %arg9[%get3A_227] {strides = array<i32>} : memref<10496xf32, #tpu.memory_space<vmem>>, vector<16xf32>,
        %get3A_229 = vector.shape_cast %get3A_228 : vector<16xf32> to vector<16xf32>
        %jit3A_230 = arith.constant 0.000000e+00 : f32
        %broadcast_in_dim3A_231 = vector.broadcast %jit3A_230 : f32 to vector<16xf32>
        %select_n3A_232 = arith.select %and3A_220, %get3A_229, %broadcast_in_dim3A_231 : vector<16xi1>, vector<16xf32>
        %swap3A_233 = arith.index_cast %scan3A_178 : i32 to index
        %swap3A_234 = arith.constant 16 : index
        %swap3A_235 = tpu.vector_load %arg12[%swap3A_233, %swap3A_234] {strides = array<i32>} : memref<82x128xf32, #tpu.memory_space<vmem>>, vector<1x16xf32>,
        %swap3A_236 = vector.shape_cast %swap3A_235 : vector<1x16xf32> to vector<16xf32>
        %swap3A_237 = vector.shape_cast %select_n3A_232 : vector<16xf32> to vector<1x16xf32>
        tpu.vector_store %arg12[%swap3A_233, %swap3A_234], %swap3A_237 {strides = array<i32>} : memref<82x128xf32, #tpu.memory_space<vmem>>, vector<1x16xf32>,
        %mul3A_238 = arith.constant 128 : i32
        %mul3A_239 = arith.muli %scan3A_178, %mul3A_238 : i32
        %add3A_240 = arith.constant 32 : i32
        %add3A_241 = arith.addi %mul3A_239, %add3A_240 : i32
        %get3A_242 = arith.index_cast %add3A_241 : i32 to index
        %get3A_243 = tpu.vector_load %arg7[%get3A_242] {strides = array<i32>} : memref<10496xi32, #tpu.memory_space<vmem>>, vector<16xi32>,
        %get3A_244 = vector.shape_cast %get3A_243 : vector<16xi32> to vector<16xi32>
        %sub3A_245 = vector.broadcast %mul3A_148 : i32 to vector<16xi32>
        %sub3A_246 = arith.subi %get3A_244, %sub3A_245 : vector<16xi32>
        %ge3A_247 = arith.constant 0 : i32
        %ge3A_248 = vector.broadcast %ge3A_247 : i32 to vector<16xi32>
        %ge3A_249 = arith.cmpi sge, %sub3A_246, %ge3A_248 : vector<16xi32>
        %lt3A_250 = arith.constant 524288 : i32
        %lt3A_251 = vector.broadcast %lt3A_250 : i32 to vector<16xi32>
        %lt3A_252 = arith.cmpi slt, %sub3A_246, %lt3A_251 : vector<16xi32>
        %and3A_253 = arith.andi %ge3A_249, %lt3A_252 : vector<16xi1>
        %select_n3A_254 = arith.select %and3A_253, %sub3A_246, %add3A_158 : vector<16xi1>, vector<16xi32>
        %swap3A_255 = arith.index_cast %scan3A_178 : i32 to index
        %swap3A_256 = arith.constant 32 : index
        %swap3A_257 = tpu.vector_load %arg11[%swap3A_255, %swap3A_256] {strides = array<i32>} : memref<82x128xi32, #tpu.memory_space<vmem>>, vector<1x16xi32>,
        %swap3A_258 = vector.shape_cast %swap3A_257 : vector<1x16xi32> to vector<16xi32>
        %swap3A_259 = vector.shape_cast %select_n3A_254 : vector<16xi32> to vector<1x16xi32>
        tpu.vector_store %arg11[%swap3A_255, %swap3A_256], %swap3A_259 {strides = array<i32>} : memref<82x128xi32, #tpu.memory_space<vmem>>, vector<1x16xi32>,
        %get3A_260 = arith.index_cast %add3A_241 : i32 to index
        %get3A_261 = tpu.vector_load %arg9[%get3A_260] {strides = array<i32>} : memref<10496xf32, #tpu.memory_space<vmem>>, vector<16xf32>,
        %get3A_262 = vector.shape_cast %get3A_261 : vector<16xf32> to vector<16xf32>
        %jit3A_263 = arith.constant 0.000000e+00 : f32
        %broadcast_in_dim3A_264 = vector.broadcast %jit3A_263 : f32 to vector<16xf32>
        %select_n3A_265 = arith.select %and3A_253, %get3A_262, %broadcast_in_dim3A_264 : vector<16xi1>, vector<16xf32>
        %swap3A_266 = arith.index_cast %scan3A_178 : i32 to index
        %swap3A_267 = arith.constant 32 : index
        %swap3A_268 = tpu.vector_load %arg12[%swap3A_266, %swap3A_267] {strides = array<i32>} : memref<82x128xf32, #tpu.memory_space<vmem>>, vector<1x16xf32>,
        %swap3A_269 = vector.shape_cast %swap3A_268 : vector<1x16xf32> to vector<16xf32>
        %swap3A_270 = vector.shape_cast %select_n3A_265 : vector<16xf32> to vector<1x16xf32>
        tpu.vector_store %arg12[%swap3A_266, %swap3A_267], %swap3A_270 {strides = array<i32>} : memref<82x128xf32, #tpu.memory_space<vmem>>, vector<1x16xf32>,
        %mul3A_271 = arith.constant 128 : i32
        %mul3A_272 = arith.muli %scan3A_178, %mul3A_271 : i32
        %add3A_273 = arith.constant 48 : i32
        %add3A_274 = arith.addi %mul3A_272, %add3A_273 : i32
        %get3A_275 = arith.index_cast %add3A_274 : i32 to index
        %get3A_276 = tpu.vector_load %arg7[%get3A_275] {strides = array<i32>} : memref<10496xi32, #tpu.memory_space<vmem>>, vector<16xi32>,
        %get3A_277 = vector.shape_cast %get3A_276 : vector<16xi32> to vector<16xi32>
        %sub3A_278 = vector.broadcast %mul3A_148 : i32 to vector<16xi32>
        %sub3A_279 = arith.subi %get3A_277, %sub3A_278 : vector<16xi32>
        %ge3A_280 = arith.constant 0 : i32
        %ge3A_281 = vector.broadcast %ge3A_280 : i32 to vector<16xi32>
        %ge3A_282 = arith.cmpi sge, %sub3A_279, %ge3A_281 : vector<16xi32>
        %lt3A_283 = arith.constant 524288 : i32
        %lt3A_284 = vector.broadcast %lt3A_283 : i32 to vector<16xi32>
        %lt3A_285 = arith.cmpi slt, %sub3A_279, %lt3A_284 : vector<16xi32>
        %and3A_286 = arith.andi %ge3A_282, %lt3A_285 : vector<16xi1>
        %select_n3A_287 = arith.select %and3A_286, %sub3A_279, %add3A_158 : vector<16xi1>, vector<16xi32>
        %swap3A_288 = arith.index_cast %scan3A_178 : i32 to index
        %swap3A_289 = arith.constant 48 : index
        %swap3A_290 = tpu.vector_load %arg11[%swap3A_288, %swap3A_289] {strides = array<i32>} : memref<82x128xi32, #tpu.memory_space<vmem>>, vector<1x16xi32>,
        %swap3A_291 = vector.shape_cast %swap3A_290 : vector<1x16xi32> to vector<16xi32>
        %swap3A_292 = vector.shape_cast %select_n3A_287 : vector<16xi32> to vector<1x16xi32>
        tpu.vector_store %arg11[%swap3A_288, %swap3A_289], %swap3A_292 {strides = array<i32>} : memref<82x128xi32, #tpu.memory_space<vmem>>, vector<1x16xi32>,
        %get3A_293 = arith.index_cast %add3A_274 : i32 to index
        %get3A_294 = tpu.vector_load %arg9[%get3A_293] {strides = array<i32>} : memref<10496xf32, #tpu.memory_space<vmem>>, vector<16xf32>,
        %get3A_295 = vector.shape_cast %get3A_294 : vector<16xf32> to vector<16xf32>
        %jit3A_296 = arith.constant 0.000000e+00 : f32
        %broadcast_in_dim3A_297 = vector.broadcast %jit3A_296 : f32 to vector<16xf32>
        %select_n3A_298 = arith.select %and3A_286, %get3A_295, %broadcast_in_dim3A_297 : vector<16xi1>, vector<16xf32>
        %swap3A_299 = arith.index_cast %scan3A_178 : i32 to index
        %swap3A_300 = arith.constant 48 : index
        %swap3A_301 = tpu.vector_load %arg12[%swap3A_299, %swap3A_300] {strides = array<i32>} : memref<82x128xf32, #tpu.memory_space<vmem>>, vector<1x16xf32>,
        %swap3A_302 = vector.shape_cast %swap3A_301 : vector<1x16xf32> to vector<16xf32>
        %swap3A_303 = vector.shape_cast %select_n3A_298 : vector<16xf32> to vector<1x16xf32>
        tpu.vector_store %arg12[%swap3A_299, %swap3A_300], %swap3A_303 {strides = array<i32>} : memref<82x128xf32, #tpu.memory_space<vmem>>, vector<1x16xf32>,
        %mul3A_304 = arith.constant 128 : i32
        %mul3A_305 = arith.muli %scan3A_178, %mul3A_304 : i32
        %add3A_306 = arith.constant 64 : i32
        %add3A_307 = arith.addi %mul3A_305, %add3A_306 : i32
        %get3A_308 = arith.index_cast %add3A_307 : i32 to index
        %get3A_309 = tpu.vector_load %arg7[%get3A_308] {strides = array<i32>} : memref<10496xi32, #tpu.memory_space<vmem>>, vector<16xi32>,
        %get3A_310 = vector.shape_cast %get3A_309 : vector<16xi32> to vector<16xi32>
        %sub3A_311 = vector.broadcast %mul3A_148 : i32 to vector<16xi32>
        %sub3A_312 = arith.subi %get3A_310, %sub3A_311 : vector<16xi32>
        %ge3A_313 = arith.constant 0 : i32
        %ge3A_314 = vector.broadcast %ge3A_313 : i32 to vector<16xi32>
        %ge3A_315 = arith.cmpi sge, %sub3A_312, %ge3A_314 : vector<16xi32>
        %lt3A_316 = arith.constant 524288 : i32
        %lt3A_317 = vector.broadcast %lt3A_316 : i32 to vector<16xi32>
        %lt3A_318 = arith.cmpi slt, %sub3A_312, %lt3A_317 : vector<16xi32>
        %and3A_319 = arith.andi %ge3A_315, %lt3A_318 : vector<16xi1>
        %select_n3A_320 = arith.select %and3A_319, %sub3A_312, %add3A_158 : vector<16xi1>, vector<16xi32>
        %swap3A_321 = arith.index_cast %scan3A_178 : i32 to index
        %swap3A_322 = arith.constant 64 : index
        %swap3A_323 = tpu.vector_load %arg11[%swap3A_321, %swap3A_322] {strides = array<i32>} : memref<82x128xi32, #tpu.memory_space<vmem>>, vector<1x16xi32>,
        %swap3A_324 = vector.shape_cast %swap3A_323 : vector<1x16xi32> to vector<16xi32>
        %swap3A_325 = vector.shape_cast %select_n3A_320 : vector<16xi32> to vector<1x16xi32>
        tpu.vector_store %arg11[%swap3A_321, %swap3A_322], %swap3A_325 {strides = array<i32>} : memref<82x128xi32, #tpu.memory_space<vmem>>, vector<1x16xi32>,
        %get3A_326 = arith.index_cast %add3A_307 : i32 to index
        %get3A_327 = tpu.vector_load %arg9[%get3A_326] {strides = array<i32>} : memref<10496xf32, #tpu.memory_space<vmem>>, vector<16xf32>,
        %get3A_328 = vector.shape_cast %get3A_327 : vector<16xf32> to vector<16xf32>
        %jit3A_329 = arith.constant 0.000000e+00 : f32
        %broadcast_in_dim3A_330 = vector.broadcast %jit3A_329 : f32 to vector<16xf32>
        %select_n3A_331 = arith.select %and3A_319, %get3A_328, %broadcast_in_dim3A_330 : vector<16xi1>, vector<16xf32>
        %swap3A_332 = arith.index_cast %scan3A_178 : i32 to index
        %swap3A_333 = arith.constant 64 : index
        %swap3A_334 = tpu.vector_load %arg12[%swap3A_332, %swap3A_333] {strides = array<i32>} : memref<82x128xf32, #tpu.memory_space<vmem>>, vector<1x16xf32>,
        %swap3A_335 = vector.shape_cast %swap3A_334 : vector<1x16xf32> to vector<16xf32>
        %swap3A_336 = vector.shape_cast %select_n3A_331 : vector<16xf32> to vector<1x16xf32>
        tpu.vector_store %arg12[%swap3A_332, %swap3A_333], %swap3A_336 {strides = array<i32>} : memref<82x128xf32, #tpu.memory_space<vmem>>, vector<1x16xf32>,
        %mul3A_337 = arith.constant 128 : i32
        %mul3A_338 = arith.muli %scan3A_178, %mul3A_337 : i32
        %add3A_339 = arith.constant 80 : i32
        %add3A_340 = arith.addi %mul3A_338, %add3A_339 : i32
        %get3A_341 = arith.index_cast %add3A_340 : i32 to index
        %get3A_342 = tpu.vector_load %arg7[%get3A_341] {strides = array<i32>} : memref<10496xi32, #tpu.memory_space<vmem>>, vector<16xi32>,
        %get3A_343 = vector.shape_cast %get3A_342 : vector<16xi32> to vector<16xi32>
        %sub3A_344 = vector.broadcast %mul3A_148 : i32 to vector<16xi32>
        %sub3A_345 = arith.subi %get3A_343, %sub3A_344 : vector<16xi32>
        %ge3A_346 = arith.constant 0 : i32
        %ge3A_347 = vector.broadcast %ge3A_346 : i32 to vector<16xi32>
        %ge3A_348 = arith.cmpi sge, %sub3A_345, %ge3A_347 : vector<16xi32>
        %lt3A_349 = arith.constant 524288 : i32
        %lt3A_350 = vector.broadcast %lt3A_349 : i32 to vector<16xi32>
        %lt3A_351 = arith.cmpi slt, %sub3A_345, %lt3A_350 : vector<16xi32>
        %and3A_352 = arith.andi %ge3A_348, %lt3A_351 : vector<16xi1>
        %select_n3A_353 = arith.select %and3A_352, %sub3A_345, %add3A_158 : vector<16xi1>, vector<16xi32>
        %swap3A_354 = arith.index_cast %scan3A_178 : i32 to index
        %swap3A_355 = arith.constant 80 : index
        %swap3A_356 = tpu.vector_load %arg11[%swap3A_354, %swap3A_355] {strides = array<i32>} : memref<82x128xi32, #tpu.memory_space<vmem>>, vector<1x16xi32>,
        %swap3A_357 = vector.shape_cast %swap3A_356 : vector<1x16xi32> to vector<16xi32>
        %swap3A_358 = vector.shape_cast %select_n3A_353 : vector<16xi32> to vector<1x16xi32>
        tpu.vector_store %arg11[%swap3A_354, %swap3A_355], %swap3A_358 {strides = array<i32>} : memref<82x128xi32, #tpu.memory_space<vmem>>, vector<1x16xi32>,
        %get3A_359 = arith.index_cast %add3A_340 : i32 to index
        %get3A_360 = tpu.vector_load %arg9[%get3A_359] {strides = array<i32>} : memref<10496xf32, #tpu.memory_space<vmem>>, vector<16xf32>,
        %get3A_361 = vector.shape_cast %get3A_360 : vector<16xf32> to vector<16xf32>
        %jit3A_362 = arith.constant 0.000000e+00 : f32
        %broadcast_in_dim3A_363 = vector.broadcast %jit3A_362 : f32 to vector<16xf32>
        %select_n3A_364 = arith.select %and3A_352, %get3A_361, %broadcast_in_dim3A_363 : vector<16xi1>, vector<16xf32>
        %swap3A_365 = arith.index_cast %scan3A_178 : i32 to index
        %swap3A_366 = arith.constant 80 : index
        %swap3A_367 = tpu.vector_load %arg12[%swap3A_365, %swap3A_366] {strides = array<i32>} : memref<82x128xf32, #tpu.memory_space<vmem>>, vector<1x16xf32>,
        %swap3A_368 = vector.shape_cast %swap3A_367 : vector<1x16xf32> to vector<16xf32>
        %swap3A_369 = vector.shape_cast %select_n3A_364 : vector<16xf32> to vector<1x16xf32>
        tpu.vector_store %arg12[%swap3A_365, %swap3A_366], %swap3A_369 {strides = array<i32>} : memref<82x128xf32, #tpu.memory_space<vmem>>, vector<1x16xf32>,
        %mul3A_370 = arith.constant 128 : i32
        %mul3A_371 = arith.muli %scan3A_178, %mul3A_370 : i32
        %add3A_372 = arith.constant 96 : i32
        %add3A_373 = arith.addi %mul3A_371, %add3A_372 : i32
        %get3A_374 = arith.index_cast %add3A_373 : i32 to index
        %get3A_375 = tpu.vector_load %arg7[%get3A_374] {strides = array<i32>} : memref<10496xi32, #tpu.memory_space<vmem>>, vector<16xi32>,
        %get3A_376 = vector.shape_cast %get3A_375 : vector<16xi32> to vector<16xi32>
        %sub3A_377 = vector.broadcast %mul3A_148 : i32 to vector<16xi32>
        %sub3A_378 = arith.subi %get3A_376, %sub3A_377 : vector<16xi32>
        %ge3A_379 = arith.constant 0 : i32
        %ge3A_380 = vector.broadcast %ge3A_379 : i32 to vector<16xi32>
        %ge3A_381 = arith.cmpi sge, %sub3A_378, %ge3A_380 : vector<16xi32>
        %lt3A_382 = arith.constant 524288 : i32
        %lt3A_383 = vector.broadcast %lt3A_382 : i32 to vector<16xi32>
        %lt3A_384 = arith.cmpi slt, %sub3A_378, %lt3A_383 : vector<16xi32>
        %and3A_385 = arith.andi %ge3A_381, %lt3A_384 : vector<16xi1>
        %select_n3A_386 = arith.select %and3A_385, %sub3A_378, %add3A_158 : vector<16xi1>, vector<16xi32>
        %swap3A_387 = arith.index_cast %scan3A_178 : i32 to index
        %swap3A_388 = arith.constant 96 : index
        %swap3A_389 = tpu.vector_load %arg11[%swap3A_387, %swap3A_388] {strides = array<i32>} : memref<82x128xi32, #tpu.memory_space<vmem>>, vector<1x16xi32>,
        %swap3A_390 = vector.shape_cast %swap3A_389 : vector<1x16xi32> to vector<16xi32>
        %swap3A_391 = vector.shape_cast %select_n3A_386 : vector<16xi32> to vector<1x16xi32>
        tpu.vector_store %arg11[%swap3A_387, %swap3A_388], %swap3A_391 {strides = array<i32>} : memref<82x128xi32, #tpu.memory_space<vmem>>, vector<1x16xi32>,
        %get3A_392 = arith.index_cast %add3A_373 : i32 to index
        %get3A_393 = tpu.vector_load %arg9[%get3A_392] {strides = array<i32>} : memref<10496xf32, #tpu.memory_space<vmem>>, vector<16xf32>,
        %get3A_394 = vector.shape_cast %get3A_393 : vector<16xf32> to vector<16xf32>
        %jit3A_395 = arith.constant 0.000000e+00 : f32
        %broadcast_in_dim3A_396 = vector.broadcast %jit3A_395 : f32 to vector<16xf32>
        %select_n3A_397 = arith.select %and3A_385, %get3A_394, %broadcast_in_dim3A_396 : vector<16xi1>, vector<16xf32>
        %swap3A_398 = arith.index_cast %scan3A_178 : i32 to index
        %swap3A_399 = arith.constant 96 : index
        %swap3A_400 = tpu.vector_load %arg12[%swap3A_398, %swap3A_399] {strides = array<i32>} : memref<82x128xf32, #tpu.memory_space<vmem>>, vector<1x16xf32>,
        %swap3A_401 = vector.shape_cast %swap3A_400 : vector<1x16xf32> to vector<16xf32>
        %swap3A_402 = vector.shape_cast %select_n3A_397 : vector<16xf32> to vector<1x16xf32>
        tpu.vector_store %arg12[%swap3A_398, %swap3A_399], %swap3A_402 {strides = array<i32>} : memref<82x128xf32, #tpu.memory_space<vmem>>, vector<1x16xf32>,
        %mul3A_403 = arith.constant 128 : i32
        %mul3A_404 = arith.muli %scan3A_178, %mul3A_403 : i32
        %add3A_405 = arith.constant 112 : i32
        %add3A_406 = arith.addi %mul3A_404, %add3A_405 : i32
        %get3A_407 = arith.index_cast %add3A_406 : i32 to index
        %get3A_408 = tpu.vector_load %arg7[%get3A_407] {strides = array<i32>} : memref<10496xi32, #tpu.memory_space<vmem>>, vector<16xi32>,
        %get3A_409 = vector.shape_cast %get3A_408 : vector<16xi32> to vector<16xi32>
        %sub3A_410 = vector.broadcast %mul3A_148 : i32 to vector<16xi32>
        %sub3A_411 = arith.subi %get3A_409, %sub3A_410 : vector<16xi32>
        %ge3A_412 = arith.constant 0 : i32
        %ge3A_413 = vector.broadcast %ge3A_412 : i32 to vector<16xi32>
        %ge3A_414 = arith.cmpi sge, %sub3A_411, %ge3A_413 : vector<16xi32>
        %lt3A_415 = arith.constant 524288 : i32
        %lt3A_416 = vector.broadcast %lt3A_415 : i32 to vector<16xi32>
        %lt3A_417 = arith.cmpi slt, %sub3A_411, %lt3A_416 : vector<16xi32>
        %and3A_418 = arith.andi %ge3A_414, %lt3A_417 : vector<16xi1>
        %select_n3A_419 = arith.select %and3A_418, %sub3A_411, %add3A_158 : vector<16xi1>, vector<16xi32>
        %swap3A_420 = arith.index_cast %scan3A_178 : i32 to index
        %swap3A_421 = arith.constant 112 : index
        %swap3A_422 = tpu.vector_load %arg11[%swap3A_420, %swap3A_421] {strides = array<i32>} : memref<82x128xi32, #tpu.memory_space<vmem>>, vector<1x16xi32>,
        %swap3A_423 = vector.shape_cast %swap3A_422 : vector<1x16xi32> to vector<16xi32>
        %swap3A_424 = vector.shape_cast %select_n3A_419 : vector<16xi32> to vector<1x16xi32>
        tpu.vector_store %arg11[%swap3A_420, %swap3A_421], %swap3A_424 {strides = array<i32>} : memref<82x128xi32, #tpu.memory_space<vmem>>, vector<1x16xi32>,
        %get3A_425 = arith.index_cast %add3A_406 : i32 to index
        %get3A_426 = tpu.vector_load %arg9[%get3A_425] {strides = array<i32>} : memref<10496xf32, #tpu.memory_space<vmem>>, vector<16xf32>,
        %get3A_427 = vector.shape_cast %get3A_426 : vector<16xf32> to vector<16xf32>
        %jit3A_428 = arith.constant 0.000000e+00 : f32
        %broadcast_in_dim3A_429 = vector.broadcast %jit3A_428 : f32 to vector<16xf32>
        %select_n3A_430 = arith.select %and3A_418, %get3A_427, %broadcast_in_dim3A_429 : vector<16xi1>, vector<16xf32>
        %swap3A_431 = arith.index_cast %scan3A_178 : i32 to index
        %swap3A_432 = arith.constant 112 : index
        %swap3A_433 = tpu.vector_load %arg12[%swap3A_431, %swap3A_432] {strides = array<i32>} : memref<82x128xf32, #tpu.memory_space<vmem>>, vector<1x16xf32>,
        %swap3A_434 = vector.shape_cast %swap3A_433 : vector<1x16xf32> to vector<16xf32>
        %swap3A_435 = vector.shape_cast %select_n3A_430 : vector<16xf32> to vector<1x16xf32>
        tpu.vector_store %arg12[%swap3A_431, %swap3A_432], %swap3A_435 {strides = array<i32>} : memref<82x128xf32, #tpu.memory_space<vmem>>, vector<1x16xf32>,
      }
      %scan3A_164 = arith.constant 82 : i32
      %scan3A_165 = arith.constant 0 : i32
      %scan3A_166 = arith.constant 0 : i32
      %scan3A_167 = arith.constant 82 : i32
      %scan3A_168 = arith.addi %scan3A_166, %scan3A_167 : i32
      %scan3A_169 = arith.constant 1 : i32
      scf.for %scan3A_178 = %scan3A_166 to %scan3A_168 step %scan3A_169  : i32 {
        "tpu.region"() ({
          %run_scoped3A_179 = tpu.sem_alloc : memref<!tpu.dma_semaphore, #tpu.memory_space<semaphore_mem>>
          %dma_start3A = arith.constant 0 : i32
          %dma_start3A_180 = tpu.memref_slice %arg12[%scan3A_178, %dma_start3A] : memref<82x128xf32, #tpu.memory_space<vmem>> -> memref<1x128xf32, #tpu.memory_space<vmem>>
          %dma_start3A_181 = tpu.memref_squeeze %dma_start3A_180 : memref<1x128xf32, #tpu.memory_space<vmem>> -> memref<128xf32, #tpu.memory_space<vmem>>
          %dma_start3A_182 = arith.constant 0 : i32
          %dma_start3A_183 = tpu.memref_slice %arg11[%scan3A_178, %dma_start3A_182] : memref<82x128xi32, #tpu.memory_space<vmem>> -> memref<1x128xi32, #tpu.memory_space<vmem>>
          %dma_start3A_184 = tpu.memref_squeeze %dma_start3A_183 : memref<1x128xi32, #tpu.memory_space<vmem>> -> memref<128xi32, #tpu.memory_space<vmem>>
          %dma_start3A_185 = arith.constant 0 : i32
          %dma_start3A_186 = tpu.memref_slice %arg16[%dma_start3A_185] : memref<524288xf32, #tpu.memory_space<vmem_shared>> -> memref<524288xf32, #tpu.memory_space<vmem_shared>>
          tpu.enqueue_indirect_dma source(%dma_start3A_181 : memref<128xf32, #tpu.memory_space<vmem>>) target(%dma_start3A_186 : memref<524288xf32, #tpu.memory_space<vmem_shared>>) offsets(%dma_start3A_184 : memref<128xi32, #tpu.memory_space<vmem>>) semaphore(%run_scoped3A_179 : memref<!tpu.dma_semaphore, #tpu.memory_space<semaphore_mem>>) {add = true}
          %dma_wait3A = arith.constant 0 : i32
          %dma_wait3A_187 = tpu.memref_slice %arg12[%scan3A_178, %dma_wait3A] : memref<82x128xf32, #tpu.memory_space<vmem>> -> memref<1x128xf32, #tpu.memory_space<vmem>>
          %dma_wait3A_188 = tpu.memref_squeeze %dma_wait3A_187 : memref<1x128xf32, #tpu.memory_space<vmem>> -> memref<128xf32, #tpu.memory_space<vmem>>
          %dma_wait3A_189 = arith.constant 0 : i32
          %dma_wait3A_190 = tpu.memref_slice %arg11[%scan3A_178, %dma_wait3A_189] : memref<82x128xi32, #tpu.memory_space<vmem>> -> memref<1x128xi32, #tpu.memory_space<vmem>>
          %dma_wait3A_191 = tpu.memref_squeeze %dma_wait3A_190 : memref<1x128xi32, #tpu.memory_space<vmem>> -> memref<128xi32, #tpu.memory_space<vmem>>
          %dma_wait3A_192 = arith.constant 0 : i32
          %dma_wait3A_193 = tpu.memref_slice %arg16[%dma_wait3A_192] : memref<524288xf32, #tpu.memory_space<vmem_shared>> -> memref<524288xf32, #tpu.memory_space<vmem_shared>>
          tpu.wait_indirect_dma semaphore(%run_scoped3A_179 : memref<!tpu.dma_semaphore, #tpu.memory_space<semaphore_mem>>) src(%dma_wait3A_188 : memref<128xf32, #tpu.memory_space<vmem>>) dst(%dma_wait3A_193 : memref<524288xf32, #tpu.memory_space<vmem_shared>>)
          tpu.yield
        }) : () -> ()
      }
      %scan3A_170 = arith.constant 82 : i32
      %run_scoped3A = arith.constant 0 : i32
      %run_scoped3A_171 = arith.constant 0 : i32
      "tpu.region"() ({
        %run_scoped3A_178 = tpu.sem_alloc : memref<!tpu.dma_semaphore, #tpu.memory_space<semaphore_mem>>
        %dma_start3A = arith.constant 0 : i32
        %dma_start3A_179 = tpu.memref_slice %arg15[%run_scoped3A, %dma_start3A] : memref<1x128xf32, #tpu.memory_space<vmem>> -> memref<1x128xf32, #tpu.memory_space<vmem>>
        %dma_start3A_180 = tpu.memref_squeeze %dma_start3A_179 : memref<1x128xf32, #tpu.memory_space<vmem>> -> memref<128xf32, #tpu.memory_space<vmem>>
        %dma_start3A_181 = arith.constant 0 : i32
        %dma_start3A_182 = tpu.memref_slice %arg14[%run_scoped3A_171, %dma_start3A_181] : memref<1x128xi32, #tpu.memory_space<vmem>> -> memref<1x128xi32, #tpu.memory_space<vmem>>
        %dma_start3A_183 = tpu.memref_squeeze %dma_start3A_182 : memref<1x128xi32, #tpu.memory_space<vmem>> -> memref<128xi32, #tpu.memory_space<vmem>>
        %dma_start3A_184 = arith.constant 0 : i32
        %dma_start3A_185 = tpu.memref_slice %arg16[%dma_start3A_184] : memref<524288xf32, #tpu.memory_space<vmem_shared>> -> memref<524288xf32, #tpu.memory_space<vmem_shared>>
        tpu.enqueue_indirect_dma source(%dma_start3A_180 : memref<128xf32, #tpu.memory_space<vmem>>) target(%dma_start3A_185 : memref<524288xf32, #tpu.memory_space<vmem_shared>>) offsets(%dma_start3A_183 : memref<128xi32, #tpu.memory_space<vmem>>) semaphore(%run_scoped3A_178 : memref<!tpu.dma_semaphore, #tpu.memory_space<semaphore_mem>>) {add = true}
        %dma_wait3A = arith.constant 0 : i32
        %dma_wait3A_186 = tpu.memref_slice %arg15[%run_scoped3A, %dma_wait3A] : memref<1x128xf32, #tpu.memory_space<vmem>> -> memref<1x128xf32, #tpu.memory_space<vmem>>
        %dma_wait3A_187 = tpu.memref_squeeze %dma_wait3A_186 : memref<1x128xf32, #tpu.memory_space<vmem>> -> memref<128xf32, #tpu.memory_space<vmem>>
        %dma_wait3A_188 = arith.constant 0 : i32
        %dma_wait3A_189 = tpu.memref_slice %arg14[%run_scoped3A_171, %dma_wait3A_188] : memref<1x128xi32, #tpu.memory_space<vmem>> -> memref<1x128xi32, #tpu.memory_space<vmem>>
        %dma_wait3A_190 = tpu.memref_squeeze %dma_wait3A_189 : memref<1x128xi32, #tpu.memory_space<vmem>> -> memref<128xi32, #tpu.memory_space<vmem>>
        %dma_wait3A_191 = arith.constant 0 : i32
        %dma_wait3A_192 = tpu.memref_slice %arg16[%dma_wait3A_191] : memref<524288xf32, #tpu.memory_space<vmem_shared>> -> memref<524288xf32, #tpu.memory_space<vmem_shared>>
        tpu.wait_indirect_dma semaphore(%run_scoped3A_178 : memref<!tpu.dma_semaphore, #tpu.memory_space<semaphore_mem>>) src(%dma_wait3A_187 : memref<128xf32, #tpu.memory_space<vmem>>) dst(%dma_wait3A_192 : memref<524288xf32, #tpu.memory_space<vmem_shared>>)
        tpu.yield
      }) : () -> ()
      %barrier3A_172 = arith.constant 0 : index
      tpu.barrier barrier_id(%barrier3A_172)
      %mul3A_173 = arith.constant 32768 : i32
      %mul3A_174 = arith.muli %arg1, %mul3A_173 : i32
      %mul3A_175 = arith.constant 32768 : i32
      %mul3A_176 = arith.muli %arg1, %mul3A_175 : i32
      %add3A_177 = arith.addi %mul3A_148, %mul3A_176 : i32
      "tpu.region"() ({
        %run_scoped3A_178 = tpu.sem_alloc : memref<!tpu.dma_semaphore, #tpu.memory_space<semaphore_mem>>
        %dma_start3A = tpu.memref_slice %arg6[%add3A_177] : memref<16777216xf32, #tpu.memory_space<hbm>> -> memref<32768xf32, #tpu.memory_space<hbm>>
        %dma_start3A_179 = tpu.memref_slice %arg16[%mul3A_174] : memref<524288xf32, #tpu.memory_space<vmem_shared>> -> memref<32768xf32, #tpu.memory_space<vmem_shared>>
        tpu.enqueue_dma source(%dma_start3A_179 : memref<32768xf32, #tpu.memory_space<vmem_shared>>) target(%dma_start3A : memref<32768xf32, #tpu.memory_space<hbm>>) target_semaphore(%run_scoped3A_178 : memref<!tpu.dma_semaphore, #tpu.memory_space<semaphore_mem>>)
        %dma_wait3A = tpu.memref_slice %arg6[%add3A_177] : memref<16777216xf32, #tpu.memory_space<hbm>> -> memref<32768xf32, #tpu.memory_space<hbm>>
        %dma_wait3A_180 = tpu.memref_slice %arg16[%mul3A_174] : memref<524288xf32, #tpu.memory_space<vmem_shared>> -> memref<32768xf32, #tpu.memory_space<vmem_shared>>
        tpu.wait_dma2 semaphore(%run_scoped3A_178 : memref<!tpu.dma_semaphore, #tpu.memory_space<semaphore_mem>>) src(%dma_wait3A_180 : memref<32768xf32, #tpu.memory_space<vmem_shared>>) dst(%dma_wait3A : memref<32768xf32, #tpu.memory_space<hbm>>)
        tpu.yield
      }) : () -> ()
    }
    %scan3A_143 = arith.constant 16 : i32
    return
  }
}

module attributes {stable_mosaic.version = 14 : i64} {
  func.func @_qkv_body(%arg0: i32, %arg1: memref<512x512xf32, #tpu.memory_space<vmem>>, %arg2: memref<512xf32, #tpu.memory_space<vmem>>, %arg3: memref<512xf32, #tpu.memory_space<vmem>>, %arg4: memref<512x512xf32, #tpu.memory_space<vmem>>, %arg5: memref<512xf32, #tpu.memory_space<vmem>>, %arg6: memref<512x512xf32, #tpu.memory_space<vmem>>, %arg7: memref<512xf32, #tpu.memory_space<vmem>>, %arg8: memref<512x512xf32, #tpu.memory_space<vmem>>, %arg9: memref<512xf32, #tpu.memory_space<vmem>>, %arg10: memref<512x512xf32, #tpu.memory_space<vmem>>, %arg11: memref<512x512xf32, #tpu.memory_space<vmem>>, %arg12: memref<512x512xf32, #tpu.memory_space<vmem>>) attributes {dimension_semantics = [#tpu.dimension_semantics<arbitrary>], iteration_bounds = array<i64: 8>, scalar_prefetch = 0 : i64, scratch_operands = 0 : i64, tpu.core_type = #tpu.core_type<tc>, window_params = [{transform_indices = @transform_0, window_bounds = array<i64: 512, 512>}, {pipeline_mode = #tpu.pipeline_mode<synchronous>, transform_indices = @transform_1, window_bounds = array<i64: 512>}, {pipeline_mode = #tpu.pipeline_mode<synchronous>, transform_indices = @transform_2, window_bounds = array<i64: 512>}, {pipeline_mode = #tpu.pipeline_mode<synchronous>, transform_indices = @transform_3, window_bounds = array<i64: 512, 512>}, {pipeline_mode = #tpu.pipeline_mode<synchronous>, transform_indices = @transform_4, window_bounds = array<i64: 512>}, {pipeline_mode = #tpu.pipeline_mode<synchronous>, transform_indices = @transform_5, window_bounds = array<i64: 512, 512>}, {pipeline_mode = #tpu.pipeline_mode<synchronous>, transform_indices = @transform_6, window_bounds = array<i64: 512>}, {pipeline_mode = #tpu.pipeline_mode<synchronous>, transform_indices = @transform_7, window_bounds = array<i64: 512, 512>}, {pipeline_mode = #tpu.pipeline_mode<synchronous>, transform_indices = @transform_8, window_bounds = array<i64: 512>}, {transform_indices = @transform_9, window_bounds = array<i64: 512, 512>}, {transform_indices = @transform_10, window_bounds = array<i64: 512, 512>}, {transform_indices = @transform_11, window_bounds = array<i64: 512, 512>}]} {
    %get3A = arith.constant 0 : index
    %get3A_0 = arith.constant 0 : index
    %get3A_1 = vector.load %arg1[%get3A, %get3A_0] : memref<512x512xf32, #tpu.memory_space<vmem>>, vector<512x512xf32>
    %get3A_2 = arith.constant 0 : index
    %get3A_3 = vector.load %arg2[%get3A_2] : memref<512xf32, #tpu.memory_space<vmem>>, vector<512xf32>
    %get3A_4 = arith.constant 0 : index
    %get3A_5 = vector.load %arg3[%get3A_4] : memref<512xf32, #tpu.memory_space<vmem>>, vector<512xf32>
    %reduce_sum3A = arith.constant dense<0.000000e+00> : vector<512xf32>
    %reduce_sum3A_6 = vector.multi_reduction <add>, %get3A_1, %reduce_sum3A [1] : vector<512x512xf32> to vector<512xf32>
    %broadcast_in_dim3A = vector.shape_cast %reduce_sum3A_6 : vector<512xf32> to vector<512x1xf32>
    %div3A = arith.constant 5.120000e+02 : f32
    %div3A_7 = vector.broadcast %div3A : f32 to vector<512x1xf32>
    %div3A_8 = arith.divf %broadcast_in_dim3A, %div3A_7 : vector<512x1xf32>
    %sub3A = vector.broadcast %div3A_8 : vector<512x1xf32> to vector<512x512xf32>
    %sub3A_9 = arith.subf %get3A_1, %sub3A : vector<512x512xf32>
    %integer_pow3A = arith.mulf %sub3A_9, %sub3A_9 : vector<512x512xf32>
    %reduce_sum3A_10 = arith.constant dense<0.000000e+00> : vector<512xf32>
    %reduce_sum3A_11 = vector.multi_reduction <add>, %integer_pow3A, %reduce_sum3A_10 [1] : vector<512x512xf32> to vector<512xf32>
    %broadcast_in_dim3A_12 = vector.shape_cast %reduce_sum3A_11 : vector<512xf32> to vector<512x1xf32>
    %div3A_13 = arith.constant 5.120000e+02 : f32
    %div3A_14 = vector.broadcast %div3A_13 : f32 to vector<512x1xf32>
    %div3A_15 = arith.divf %broadcast_in_dim3A_12, %div3A_14 : vector<512x1xf32>
    %sub3A_16 = vector.broadcast %div3A_8 : vector<512x1xf32> to vector<512x512xf32>
    %sub3A_17 = arith.subf %get3A_1, %sub3A_16 : vector<512x512xf32>
    %add3A = arith.constant 9.99999974E-6 : f32
    %add3A_18 = vector.broadcast %add3A : f32 to vector<512x1xf32>
    %add3A_19 = arith.addf %div3A_15, %add3A_18 : vector<512x1xf32>
    %sqrt3A = math.sqrt %add3A_19 : vector<512x1xf32>
    %div3A_20 = vector.broadcast %sqrt3A : vector<512x1xf32> to vector<512x512xf32>
    %div3A_21 = arith.divf %sub3A_17, %div3A_20 : vector<512x512xf32>
    %broadcast_in_dim3A_22 = vector.shape_cast %get3A_3 : vector<512xf32> to vector<1x512xf32>
    %mul3A = vector.broadcast %broadcast_in_dim3A_22 : vector<1x512xf32> to vector<512x512xf32>
    %mul3A_23 = arith.mulf %div3A_21, %mul3A : vector<512x512xf32>
    %broadcast_in_dim3A_24 = vector.shape_cast %get3A_5 : vector<512xf32> to vector<1x512xf32>
    %add3A_25 = vector.broadcast %broadcast_in_dim3A_24 : vector<1x512xf32> to vector<512x512xf32>
    %add3A_26 = arith.addf %mul3A_23, %add3A_25 : vector<512x512xf32>
    %get3A_27 = arith.constant 0 : index
    %get3A_28 = arith.constant 0 : index
    %get3A_29 = vector.load %arg4[%get3A_27, %get3A_28] : memref<512x512xf32, #tpu.memory_space<vmem>>, vector<512x512xf32>
    %dot_general3A = arith.constant dense<0.000000e+00> : vector<512x512xf32>
    %dot_general3A_30 = tpu.matmul %add3A_26, %get3A_29, %dot_general3A {dimension_numbers = #tpu.dot_dimension_numbers<[1], [0], [0], [1], [0, 0, 1, 1], [], []>, transpose_lhs_hint = false} : vector<512x512xf32>, vector<512x512xf32>, vector<512x512xf32> -> vector<512x512xf32>
    %get3A_31 = arith.constant 0 : index
    %get3A_32 = vector.load %arg5[%get3A_31] : memref<512xf32, #tpu.memory_space<vmem>>, vector<512xf32>
    %broadcast_in_dim3A_33 = vector.shape_cast %get3A_32 : vector<512xf32> to vector<1x512xf32>
    %add3A_34 = vector.broadcast %broadcast_in_dim3A_33 : vector<1x512xf32> to vector<512x512xf32>
    %add3A_35 = arith.addf %dot_general3A_30, %add3A_34 : vector<512x512xf32>
    %swap3A = arith.constant 0 : index
    %swap3A_36 = arith.constant 0 : index
    %swap3A_37 = vector.load %arg10[%swap3A, %swap3A_36] : memref<512x512xf32, #tpu.memory_space<vmem>>, vector<512x512xf32>
    tpu.vector_store %arg10[%swap3A, %swap3A_36], %add3A_35 {strides = array<i32>} : memref<512x512xf32, #tpu.memory_space<vmem>>, vector<512x512xf32>,
    %get3A_38 = arith.constant 0 : index
    %get3A_39 = arith.constant 0 : index
    %get3A_40 = vector.load %arg6[%get3A_38, %get3A_39] : memref<512x512xf32, #tpu.memory_space<vmem>>, vector<512x512xf32>
    %dot_general3A_41 = arith.constant dense<0.000000e+00> : vector<512x512xf32>
    %dot_general3A_42 = tpu.matmul %add3A_26, %get3A_40, %dot_general3A_41 {dimension_numbers = #tpu.dot_dimension_numbers<[1], [0], [0], [1], [0, 0, 1, 1], [], []>, transpose_lhs_hint = false} : vector<512x512xf32>, vector<512x512xf32>, vector<512x512xf32> -> vector<512x512xf32>
    %get3A_43 = arith.constant 0 : index
    %get3A_44 = vector.load %arg7[%get3A_43] : memref<512xf32, #tpu.memory_space<vmem>>, vector<512xf32>
    %broadcast_in_dim3A_45 = vector.shape_cast %get3A_44 : vector<512xf32> to vector<1x512xf32>
    %add3A_46 = vector.broadcast %broadcast_in_dim3A_45 : vector<1x512xf32> to vector<512x512xf32>
    %add3A_47 = arith.addf %dot_general3A_42, %add3A_46 : vector<512x512xf32>
    %swap3A_48 = arith.constant 0 : index
    %swap3A_49 = arith.constant 0 : index
    %swap3A_50 = vector.load %arg11[%swap3A_48, %swap3A_49] : memref<512x512xf32, #tpu.memory_space<vmem>>, vector<512x512xf32>
    tpu.vector_store %arg11[%swap3A_48, %swap3A_49], %add3A_47 {strides = array<i32>} : memref<512x512xf32, #tpu.memory_space<vmem>>, vector<512x512xf32>,
    %get3A_51 = arith.constant 0 : index
    %get3A_52 = arith.constant 0 : index
    %get3A_53 = vector.load %arg8[%get3A_51, %get3A_52] : memref<512x512xf32, #tpu.memory_space<vmem>>, vector<512x512xf32>
    %dot_general3A_54 = arith.constant dense<0.000000e+00> : vector<512x512xf32>
    %dot_general3A_55 = tpu.matmul %add3A_26, %get3A_53, %dot_general3A_54 {dimension_numbers = #tpu.dot_dimension_numbers<[1], [0], [0], [1], [0, 0, 1, 1], [], []>, transpose_lhs_hint = false} : vector<512x512xf32>, vector<512x512xf32>, vector<512x512xf32> -> vector<512x512xf32>
    %get3A_56 = arith.constant 0 : index
    %get3A_57 = vector.load %arg9[%get3A_56] : memref<512xf32, #tpu.memory_space<vmem>>, vector<512xf32>
    %broadcast_in_dim3A_58 = vector.shape_cast %get3A_57 : vector<512xf32> to vector<1x512xf32>
    %add3A_59 = vector.broadcast %broadcast_in_dim3A_58 : vector<1x512xf32> to vector<512x512xf32>
    %add3A_60 = arith.addf %dot_general3A_55, %add3A_59 : vector<512x512xf32>
    %swap3A_61 = arith.constant 0 : index
    %swap3A_62 = arith.constant 0 : index
    %swap3A_63 = vector.load %arg12[%swap3A_61, %swap3A_62] : memref<512x512xf32, #tpu.memory_space<vmem>>, vector<512x512xf32>
    tpu.vector_store %arg12[%swap3A_61, %swap3A_62], %add3A_60 {strides = array<i32>} : memref<512x512xf32, #tpu.memory_space<vmem>>, vector<512x512xf32>,
    return
  }
  func.func @transform_0(%arg0: i32) -> (i32, i32) {
    %c0_i32 = arith.constant 0 : i32
    %c0_i32_0 = arith.constant 0 : i32
    return %arg0, %c0_i32 : i32, i32
  }
  func.func @transform_1(%arg0: i32) -> i32 {
    %c0_i32 = arith.constant 0 : i32
    %c0_i32_0 = arith.constant 0 : i32
    return %c0_i32 : i32
  }
  func.func @transform_2(%arg0: i32) -> i32 {
    %c0_i32 = arith.constant 0 : i32
    %c0_i32_0 = arith.constant 0 : i32
    return %c0_i32 : i32
  }
  func.func @transform_3(%arg0: i32) -> (i32, i32) {
    %c0_i32 = arith.constant 0 : i32
    %c0_i32_0 = arith.constant 0 : i32
    %c0_i32_1 = arith.constant 0 : i32
    return %c0_i32, %c0_i32_0 : i32, i32
  }
  func.func @transform_4(%arg0: i32) -> i32 {
    %c0_i32 = arith.constant 0 : i32
    %c0_i32_0 = arith.constant 0 : i32
    return %c0_i32 : i32
  }
  func.func @transform_5(%arg0: i32) -> (i32, i32) {
    %c0_i32 = arith.constant 0 : i32
    %c0_i32_0 = arith.constant 0 : i32
    %c0_i32_1 = arith.constant 0 : i32
    return %c0_i32, %c0_i32_0 : i32, i32
  }
  func.func @transform_6(%arg0: i32) -> i32 {
    %c0_i32 = arith.constant 0 : i32
    %c0_i32_0 = arith.constant 0 : i32
    return %c0_i32 : i32
  }
  func.func @transform_7(%arg0: i32) -> (i32, i32) {
    %c0_i32 = arith.constant 0 : i32
    %c0_i32_0 = arith.constant 0 : i32
    %c0_i32_1 = arith.constant 0 : i32
    return %c0_i32, %c0_i32_0 : i32, i32
  }
  func.func @transform_8(%arg0: i32) -> i32 {
    %c0_i32 = arith.constant 0 : i32
    %c0_i32_0 = arith.constant 0 : i32
    return %c0_i32 : i32
  }
  func.func @transform_9(%arg0: i32) -> (i32, i32) {
    %c0_i32 = arith.constant 0 : i32
    %c0_i32_0 = arith.constant 0 : i32
    return %arg0, %c0_i32 : i32, i32
  }
  func.func @transform_10(%arg0: i32) -> (i32, i32) {
    %c0_i32 = arith.constant 0 : i32
    %c0_i32_0 = arith.constant 0 : i32
    return %arg0, %c0_i32 : i32, i32
  }
  func.func @transform_11(%arg0: i32) -> (i32, i32) {
    %c0_i32 = arith.constant 0 : i32
    %c0_i32_0 = arith.constant 0 : i32
    return %arg0, %c0_i32 : i32, i32
  }
}

module attributes {stable_mosaic.version = 14 : i64} {
  func.func @_attn_body(%arg0: i32, %arg1: i32, %arg2: memref<1x256x64xf32, #tpu.memory_space<vmem>>, %arg3: memref<1x4096x64xf32, #tpu.memory_space<vmem>>, %arg4: memref<1x4096x64xf32, #tpu.memory_space<vmem>>, %arg5: memref<256x4096xf32, #tpu.memory_space<vmem>>, %arg6: memref<1x256x64xf32, #tpu.memory_space<vmem>>) attributes {dimension_semantics = [#tpu.dimension_semantics<arbitrary>, #tpu.dimension_semantics<arbitrary>], iteration_bounds = array<i64: 16, 8>, scalar_prefetch = 0 : i64, scratch_operands = 0 : i64, tpu.core_type = #tpu.core_type<tc>, window_params = [{transform_indices = @transform_0, window_bounds = array<i64: 1, 256, 64>}, {transform_indices = @transform_1, window_bounds = array<i64: 1, 4096, 64>}, {transform_indices = @transform_2, window_bounds = array<i64: 1, 4096, 64>}, {transform_indices = @transform_3, window_bounds = array<i64: 256, 4096>}, {transform_indices = @transform_4, window_bounds = array<i64: 1, 256, 64>}]} {
    %get3A = arith.constant 0 : index
    %get3A_0 = arith.constant 0 : index
    %get3A_1 = arith.constant 0 : index
    %get3A_2 = vector.load %arg2[%get3A, %get3A_0, %get3A_1] : memref<1x256x64xf32, #tpu.memory_space<vmem>>, vector<1x256x64xf32>
    %get3A_3 = vector.shape_cast %get3A_2 : vector<1x256x64xf32> to vector<256x64xf32>
    %get3A_4 = arith.constant 0 : index
    %get3A_5 = arith.constant 0 : index
    %get3A_6 = arith.constant 0 : index
    %get3A_7 = vector.load %arg3[%get3A_4, %get3A_5, %get3A_6] : memref<1x4096x64xf32, #tpu.memory_space<vmem>>, vector<1x4096x64xf32>
    %get3A_8 = vector.shape_cast %get3A_7 : vector<1x4096x64xf32> to vector<4096x64xf32>
    %get3A_9 = arith.constant 0 : index
    %get3A_10 = arith.constant 0 : index
    %get3A_11 = arith.constant 0 : index
    %get3A_12 = vector.load %arg4[%get3A_9, %get3A_10, %get3A_11] : memref<1x4096x64xf32, #tpu.memory_space<vmem>>, vector<1x4096x64xf32>
    %get3A_13 = vector.shape_cast %get3A_12 : vector<1x4096x64xf32> to vector<4096x64xf32>
    %dot_general3A = arith.constant dense<0.000000e+00> : vector<256x4096xf32>
    %dot_general3A_14 = tpu.matmul %get3A_3, %get3A_8, %dot_general3A {dimension_numbers = #tpu.dot_dimension_numbers<[1], [1], [0], [0], [0, 0, 1, 0], [], []>, transpose_lhs_hint = false} : vector<256x64xf32>, vector<4096x64xf32>, vector<256x4096xf32> -> vector<256x4096xf32>
    %mul3A = arith.constant 1.250000e-01 : f32
    %mul3A_15 = vector.broadcast %mul3A : f32 to vector<256x4096xf32>
    %mul3A_16 = arith.mulf %dot_general3A_14, %mul3A_15 : vector<256x4096xf32>
    %reduce_max3A = arith.constant dense<0xFF800000> : vector<256xf32>
    %reduce_max3A_17 = vector.multi_reduction <maximumf>, %mul3A_16, %reduce_max3A [1] : vector<256x4096xf32> to vector<256xf32>
    %broadcast_in_dim3A = vector.shape_cast %reduce_max3A_17 : vector<256xf32> to vector<256x1xf32>
    %sub3A = vector.broadcast %broadcast_in_dim3A : vector<256x1xf32> to vector<256x4096xf32>
    %sub3A_18 = arith.subf %mul3A_16, %sub3A : vector<256x4096xf32>
    %exp3A = math.exp %sub3A_18 : vector<256x4096xf32>
    %get3A_19 = arith.constant 0 : index
    %get3A_20 = arith.constant 0 : index
    %get3A_21 = vector.load %arg5[%get3A_19, %get3A_20] : memref<256x4096xf32, #tpu.memory_space<vmem>>, vector<256x4096xf32>
    %mul3A_22 = arith.mulf %exp3A, %get3A_21 : vector<256x4096xf32>
    %reduce_sum3A = arith.constant dense<0.000000e+00> : vector<256xf32>
    %reduce_sum3A_23 = vector.multi_reduction <add>, %mul3A_22, %reduce_sum3A [1] : vector<256x4096xf32> to vector<256xf32>
    %broadcast_in_dim3A_24 = vector.shape_cast %reduce_sum3A_23 : vector<256xf32> to vector<256x1xf32>
    %add3A = arith.constant 9.99999971E-10 : f32
    %add3A_25 = vector.broadcast %add3A : f32 to vector<256x1xf32>
    %add3A_26 = arith.addf %broadcast_in_dim3A_24, %add3A_25 : vector<256x1xf32>
    %div3A = vector.broadcast %add3A_26 : vector<256x1xf32> to vector<256x4096xf32>
    %div3A_27 = arith.divf %mul3A_22, %div3A : vector<256x4096xf32>
    %dot_general3A_28 = arith.constant dense<0.000000e+00> : vector<256x64xf32>
    %dot_general3A_29 = tpu.matmul %div3A_27, %get3A_13, %dot_general3A_28 {dimension_numbers = #tpu.dot_dimension_numbers<[1], [0], [0], [1], [0, 0, 1, 1], [], []>, transpose_lhs_hint = false} : vector<256x4096xf32>, vector<4096x64xf32>, vector<256x64xf32> -> vector<256x64xf32>
    %swap3A = arith.constant 0 : index
    %swap3A_30 = arith.constant 0 : index
    %swap3A_31 = arith.constant 0 : index
    %swap3A_32 = vector.load %arg6[%swap3A, %swap3A_30, %swap3A_31] : memref<1x256x64xf32, #tpu.memory_space<vmem>>, vector<1x256x64xf32>
    %swap3A_33 = vector.shape_cast %swap3A_32 : vector<1x256x64xf32> to vector<256x64xf32>
    %swap3A_34 = vector.shape_cast %dot_general3A_29 : vector<256x64xf32> to vector<1x256x64xf32>
    tpu.vector_store %arg6[%swap3A, %swap3A_30, %swap3A_31], %swap3A_34 {strides = array<i32>} : memref<1x256x64xf32, #tpu.memory_space<vmem>>, vector<1x256x64xf32>,
    return
  }
  func.func @transform_0(%arg0: i32, %arg1: i32) -> (i32, i32, i32) {
    %c0_i32 = arith.constant 0 : i32
    %c0_i32_0 = arith.constant 0 : i32
    return %arg1, %arg0, %c0_i32 : i32, i32, i32
  }
  func.func @transform_1(%arg0: i32, %arg1: i32) -> (i32, i32, i32) {
    %c0_i32 = arith.constant 0 : i32
    %c0_i32_0 = arith.constant 0 : i32
    %c0_i32_1 = arith.constant 0 : i32
    return %arg1, %c0_i32, %c0_i32_0 : i32, i32, i32
  }
  func.func @transform_2(%arg0: i32, %arg1: i32) -> (i32, i32, i32) {
    %c0_i32 = arith.constant 0 : i32
    %c0_i32_0 = arith.constant 0 : i32
    %c0_i32_1 = arith.constant 0 : i32
    return %arg1, %c0_i32, %c0_i32_0 : i32, i32, i32
  }
  func.func @transform_3(%arg0: i32, %arg1: i32) -> (i32, i32) {
    %c0_i32 = arith.constant 0 : i32
    %c0_i32_0 = arith.constant 0 : i32
    return %arg0, %c0_i32 : i32, i32
  }
  func.func @transform_4(%arg0: i32, %arg1: i32) -> (i32, i32, i32) {
    %c0_i32 = arith.constant 0 : i32
    %c0_i32_0 = arith.constant 0 : i32
    return %arg1, %arg0, %c0_i32 : i32, i32, i32
  }
}

module attributes {stable_mosaic.version = 14 : i64} {
  func.func @_tail_body(%arg0: i32, %arg1: memref<512x512xf32, #tpu.memory_space<vmem>>, %arg2: memref<512x512xf32, #tpu.memory_space<vmem>>, %arg3: memref<512x512xf32, #tpu.memory_space<vmem>>, %arg4: memref<512xf32, #tpu.memory_space<vmem>>, %arg5: memref<512xf32, #tpu.memory_space<vmem>>, %arg6: memref<512xf32, #tpu.memory_space<vmem>>, %arg7: memref<512x1024xf32, #tpu.memory_space<vmem>>, %arg8: memref<1024xf32, #tpu.memory_space<vmem>>, %arg9: memref<1024x512xf32, #tpu.memory_space<vmem>>, %arg10: memref<512xf32, #tpu.memory_space<vmem>>, %arg11: memref<512x512xf32, #tpu.memory_space<vmem>>) attributes {dimension_semantics = [#tpu.dimension_semantics<arbitrary>], iteration_bounds = array<i64: 8>, scalar_prefetch = 0 : i64, scratch_operands = 0 : i64, tpu.core_type = #tpu.core_type<tc>, window_params = [{transform_indices = @transform_0, window_bounds = array<i64: 512, 512>}, {transform_indices = @transform_1, window_bounds = array<i64: 512, 512>}, {pipeline_mode = #tpu.pipeline_mode<synchronous>, transform_indices = @transform_2, window_bounds = array<i64: 512, 512>}, {pipeline_mode = #tpu.pipeline_mode<synchronous>, transform_indices = @transform_3, window_bounds = array<i64: 512>}, {pipeline_mode = #tpu.pipeline_mode<synchronous>, transform_indices = @transform_4, window_bounds = array<i64: 512>}, {pipeline_mode = #tpu.pipeline_mode<synchronous>, transform_indices = @transform_5, window_bounds = array<i64: 512>}, {pipeline_mode = #tpu.pipeline_mode<synchronous>, transform_indices = @transform_6, window_bounds = array<i64: 512, 1024>}, {pipeline_mode = #tpu.pipeline_mode<synchronous>, transform_indices = @transform_7, window_bounds = array<i64: 1024>}, {pipeline_mode = #tpu.pipeline_mode<synchronous>, transform_indices = @transform_8, window_bounds = array<i64: 1024, 512>}, {pipeline_mode = #tpu.pipeline_mode<synchronous>, transform_indices = @transform_9, window_bounds = array<i64: 512>}, {transform_indices = @transform_10, window_bounds = array<i64: 512, 512>}]} {
    %get3A = arith.constant 0 : index
    %get3A_0 = arith.constant 0 : index
    %get3A_1 = vector.load %arg1[%get3A, %get3A_0] : memref<512x512xf32, #tpu.memory_space<vmem>>, vector<512x512xf32>
    %get3A_2 = arith.constant 0 : index
    %get3A_3 = arith.constant 0 : index
    %get3A_4 = vector.load %arg2[%get3A_2, %get3A_3] : memref<512x512xf32, #tpu.memory_space<vmem>>, vector<512x512xf32>
    %get3A_5 = arith.constant 0 : index
    %get3A_6 = arith.constant 0 : index
    %get3A_7 = vector.load %arg3[%get3A_5, %get3A_6] : memref<512x512xf32, #tpu.memory_space<vmem>>, vector<512x512xf32>
    %dot_general3A = arith.constant dense<0.000000e+00> : vector<512x512xf32>
    %dot_general3A_8 = tpu.matmul %get3A_4, %get3A_7, %dot_general3A {dimension_numbers = #tpu.dot_dimension_numbers<[1], [0], [0], [1], [0, 0, 1, 1], [], []>, transpose_lhs_hint = false} : vector<512x512xf32>, vector<512x512xf32>, vector<512x512xf32> -> vector<512x512xf32>
    %add3A = arith.addf %get3A_1, %dot_general3A_8 : vector<512x512xf32>
    %get3A_9 = arith.constant 0 : index
    %get3A_10 = vector.load %arg4[%get3A_9] : memref<512xf32, #tpu.memory_space<vmem>>, vector<512xf32>
    %broadcast_in_dim3A = vector.shape_cast %get3A_10 : vector<512xf32> to vector<1x512xf32>
    %add3A_11 = vector.broadcast %broadcast_in_dim3A : vector<1x512xf32> to vector<512x512xf32>
    %add3A_12 = arith.addf %add3A, %add3A_11 : vector<512x512xf32>
    %get3A_13 = arith.constant 0 : index
    %get3A_14 = vector.load %arg5[%get3A_13] : memref<512xf32, #tpu.memory_space<vmem>>, vector<512xf32>
    %get3A_15 = arith.constant 0 : index
    %get3A_16 = vector.load %arg6[%get3A_15] : memref<512xf32, #tpu.memory_space<vmem>>, vector<512xf32>
    %reduce_sum3A = arith.constant dense<0.000000e+00> : vector<512xf32>
    %reduce_sum3A_17 = vector.multi_reduction <add>, %add3A_12, %reduce_sum3A [1] : vector<512x512xf32> to vector<512xf32>
    %broadcast_in_dim3A_18 = vector.shape_cast %reduce_sum3A_17 : vector<512xf32> to vector<512x1xf32>
    %div3A = arith.constant 5.120000e+02 : f32
    %div3A_19 = vector.broadcast %div3A : f32 to vector<512x1xf32>
    %div3A_20 = arith.divf %broadcast_in_dim3A_18, %div3A_19 : vector<512x1xf32>
    %sub3A = vector.broadcast %div3A_20 : vector<512x1xf32> to vector<512x512xf32>
    %sub3A_21 = arith.subf %add3A_12, %sub3A : vector<512x512xf32>
    %integer_pow3A = arith.mulf %sub3A_21, %sub3A_21 : vector<512x512xf32>
    %reduce_sum3A_22 = arith.constant dense<0.000000e+00> : vector<512xf32>
    %reduce_sum3A_23 = vector.multi_reduction <add>, %integer_pow3A, %reduce_sum3A_22 [1] : vector<512x512xf32> to vector<512xf32>
    %broadcast_in_dim3A_24 = vector.shape_cast %reduce_sum3A_23 : vector<512xf32> to vector<512x1xf32>
    %div3A_25 = arith.constant 5.120000e+02 : f32
    %div3A_26 = vector.broadcast %div3A_25 : f32 to vector<512x1xf32>
    %div3A_27 = arith.divf %broadcast_in_dim3A_24, %div3A_26 : vector<512x1xf32>
    %sub3A_28 = vector.broadcast %div3A_20 : vector<512x1xf32> to vector<512x512xf32>
    %sub3A_29 = arith.subf %add3A_12, %sub3A_28 : vector<512x512xf32>
    %add3A_30 = arith.constant 9.99999974E-6 : f32
    %add3A_31 = vector.broadcast %add3A_30 : f32 to vector<512x1xf32>
    %add3A_32 = arith.addf %div3A_27, %add3A_31 : vector<512x1xf32>
    %sqrt3A = math.sqrt %add3A_32 : vector<512x1xf32>
    %div3A_33 = vector.broadcast %sqrt3A : vector<512x1xf32> to vector<512x512xf32>
    %div3A_34 = arith.divf %sub3A_29, %div3A_33 : vector<512x512xf32>
    %broadcast_in_dim3A_35 = vector.shape_cast %get3A_14 : vector<512xf32> to vector<1x512xf32>
    %mul3A = vector.broadcast %broadcast_in_dim3A_35 : vector<1x512xf32> to vector<512x512xf32>
    %mul3A_36 = arith.mulf %div3A_34, %mul3A : vector<512x512xf32>
    %broadcast_in_dim3A_37 = vector.shape_cast %get3A_16 : vector<512xf32> to vector<1x512xf32>
    %add3A_38 = vector.broadcast %broadcast_in_dim3A_37 : vector<1x512xf32> to vector<512x512xf32>
    %add3A_39 = arith.addf %mul3A_36, %add3A_38 : vector<512x512xf32>
    %get3A_40 = arith.constant 0 : index
    %get3A_41 = arith.constant 0 : index
    %get3A_42 = vector.load %arg7[%get3A_40, %get3A_41] : memref<512x1024xf32, #tpu.memory_space<vmem>>, vector<512x1024xf32>
    %dot_general3A_43 = arith.constant dense<0.000000e+00> : vector<512x1024xf32>
    %dot_general3A_44 = tpu.matmul %add3A_39, %get3A_42, %dot_general3A_43 {dimension_numbers = #tpu.dot_dimension_numbers<[1], [0], [0], [1], [0, 0, 1, 1], [], []>, transpose_lhs_hint = false} : vector<512x512xf32>, vector<512x1024xf32>, vector<512x1024xf32> -> vector<512x1024xf32>
    %get3A_45 = arith.constant 0 : index
    %get3A_46 = vector.load %arg8[%get3A_45] : memref<1024xf32, #tpu.memory_space<vmem>>, vector<1024xf32>
    %broadcast_in_dim3A_47 = vector.shape_cast %get3A_46 : vector<1024xf32> to vector<1x1024xf32>
    %add3A_48 = vector.broadcast %broadcast_in_dim3A_47 : vector<1x1024xf32> to vector<512x1024xf32>
    %add3A_49 = arith.addf %dot_general3A_44, %add3A_48 : vector<512x1024xf32>
    %integer_pow3A_50 = arith.mulf %add3A_49, %add3A_49 : vector<512x1024xf32>
    %integer_pow3A_51 = arith.mulf %add3A_49, %integer_pow3A_50 : vector<512x1024xf32>
    %mul3A_52 = arith.constant 4.471500e-02 : f32
    %mul3A_53 = vector.broadcast %mul3A_52 : f32 to vector<512x1024xf32>
    %mul3A_54 = arith.mulf %mul3A_53, %integer_pow3A_51 : vector<512x1024xf32>
    %add3A_55 = arith.addf %add3A_49, %mul3A_54 : vector<512x1024xf32>
    %mul3A_56 = arith.constant 0.797884583 : f32
    %mul3A_57 = vector.broadcast %mul3A_56 : f32 to vector<512x1024xf32>
    %mul3A_58 = arith.mulf %mul3A_57, %add3A_55 : vector<512x1024xf32>
    %tanh3A = math.tanh %mul3A_58 : vector<512x1024xf32>
    %add3A_59 = arith.constant 1.000000e+00 : f32
    %add3A_60 = vector.broadcast %add3A_59 : f32 to vector<512x1024xf32>
    %add3A_61 = arith.addf %add3A_60, %tanh3A : vector<512x1024xf32>
    %mul3A_62 = arith.constant 5.000000e-01 : f32
    %mul3A_63 = vector.broadcast %mul3A_62 : f32 to vector<512x1024xf32>
    %mul3A_64 = arith.mulf %mul3A_63, %add3A_61 : vector<512x1024xf32>
    %mul3A_65 = arith.mulf %add3A_49, %mul3A_64 : vector<512x1024xf32>
    %get3A_66 = arith.constant 0 : index
    %get3A_67 = arith.constant 0 : index
    %get3A_68 = vector.load %arg9[%get3A_66, %get3A_67] : memref<1024x512xf32, #tpu.memory_space<vmem>>, vector<1024x512xf32>
    %dot_general3A_69 = arith.constant dense<0.000000e+00> : vector<512x512xf32>
    %dot_general3A_70 = tpu.matmul %mul3A_65, %get3A_68, %dot_general3A_69 {dimension_numbers = #tpu.dot_dimension_numbers<[1], [0], [0], [1], [0, 0, 1, 1], [], []>, transpose_lhs_hint = false} : vector<512x1024xf32>, vector<1024x512xf32>, vector<512x512xf32> -> vector<512x512xf32>
    %add3A_71 = arith.addf %add3A_12, %dot_general3A_70 : vector<512x512xf32>
    %get3A_72 = arith.constant 0 : index
    %get3A_73 = vector.load %arg10[%get3A_72] : memref<512xf32, #tpu.memory_space<vmem>>, vector<512xf32>
    %broadcast_in_dim3A_74 = vector.shape_cast %get3A_73 : vector<512xf32> to vector<1x512xf32>
    %add3A_75 = vector.broadcast %broadcast_in_dim3A_74 : vector<1x512xf32> to vector<512x512xf32>
    %add3A_76 = arith.addf %add3A_71, %add3A_75 : vector<512x512xf32>
    %swap3A = arith.constant 0 : index
    %swap3A_77 = arith.constant 0 : index
    %swap3A_78 = vector.load %arg11[%swap3A, %swap3A_77] : memref<512x512xf32, #tpu.memory_space<vmem>>, vector<512x512xf32>
    tpu.vector_store %arg11[%swap3A, %swap3A_77], %add3A_76 {strides = array<i32>} : memref<512x512xf32, #tpu.memory_space<vmem>>, vector<512x512xf32>,
    return
  }
  func.func @transform_0(%arg0: i32) -> (i32, i32) {
    %c0_i32 = arith.constant 0 : i32
    %c0_i32_0 = arith.constant 0 : i32
    return %arg0, %c0_i32 : i32, i32
  }
  func.func @transform_1(%arg0: i32) -> (i32, i32) {
    %c0_i32 = arith.constant 0 : i32
    %c0_i32_0 = arith.constant 0 : i32
    return %arg0, %c0_i32 : i32, i32
  }
  func.func @transform_2(%arg0: i32) -> (i32, i32) {
    %c0_i32 = arith.constant 0 : i32
    %c0_i32_0 = arith.constant 0 : i32
    %c0_i32_1 = arith.constant 0 : i32
    return %c0_i32, %c0_i32_0 : i32, i32
  }
  func.func @transform_3(%arg0: i32) -> i32 {
    %c0_i32 = arith.constant 0 : i32
    %c0_i32_0 = arith.constant 0 : i32
    return %c0_i32 : i32
  }
  func.func @transform_4(%arg0: i32) -> i32 {
    %c0_i32 = arith.constant 0 : i32
    %c0_i32_0 = arith.constant 0 : i32
    return %c0_i32 : i32
  }
  func.func @transform_5(%arg0: i32) -> i32 {
    %c0_i32 = arith.constant 0 : i32
    %c0_i32_0 = arith.constant 0 : i32
    return %c0_i32 : i32
  }
  func.func @transform_6(%arg0: i32) -> (i32, i32) {
    %c0_i32 = arith.constant 0 : i32
    %c0_i32_0 = arith.constant 0 : i32
    %c0_i32_1 = arith.constant 0 : i32
    return %c0_i32, %c0_i32_0 : i32, i32
  }
  func.func @transform_7(%arg0: i32) -> i32 {
    %c0_i32 = arith.constant 0 : i32
    %c0_i32_0 = arith.constant 0 : i32
    return %c0_i32 : i32
  }
  func.func @transform_8(%arg0: i32) -> (i32, i32) {
    %c0_i32 = arith.constant 0 : i32
    %c0_i32_0 = arith.constant 0 : i32
    %c0_i32_1 = arith.constant 0 : i32
    return %c0_i32, %c0_i32_0 : i32, i32
  }
  func.func @transform_9(%arg0: i32) -> i32 {
    %c0_i32 = arith.constant 0 : i32
    %c0_i32_0 = arith.constant 0 : i32
    return %c0_i32 : i32
  }
  func.func @transform_10(%arg0: i32) -> (i32, i32) {
    %c0_i32 = arith.constant 0 : i32
    %c0_i32_0 = arith.constant 0 : i32
    return %arg0, %c0_i32 : i32, i32
  }
}

</mosaic_0001>

<sc_bundles>
// kernel: kernel.6.cloned.1.call-start
scs
__scs_entry_jumppad:
0x0: {  	(pc) =	sbr.rel $0x88, $3  }
0x1: {  	(tag) =	ssettag $0x0;
	lr =	simm.s32 $0x1  }
0x2: {  	[smem:$0x3F8D] =	sst lr;
	_ =	strace $0xD0000000  }
0x3: {  	_ = 	snop  }
0x4: {  	_ = 	snop  }
0x5: {  	_ = 	snop  }
0x6: {  	_ = 	snop  }
0x7: {  	_ = 	snop  }
__scs_overlays_trampoline_lowered:
0x8: {  	[smem:$0x3F9C] =	sst s0  }
0x9: {  	[smem:$0x3F9D] =	sst s1  }
0xa: {  	[smem:$0x3F9E] =	sst s2  }
0xb: {  	[smem:$0x3F9F] =	sst s3  }
0xc: {  	[smem:$0x3FA0] =	sst s4  }
0xd: {  	[smem:$0x3FA1] =	sst s5  }
0xe: {  	[smem:$0x3FA2] =	sst s6  }
0xf: {  	[smem:$0x3FA3] =	sst s7  }
0x10: {  	[smem:$0x3FA4] =	sst s8  }
0x11: {  	[smem:$0x3FA5] =	sst s9;
	s0 =	simm.s32 @!p0 $0x0  }
0x12: {  	s1 =	sld [smem:$0x3F8B];
	s0 =	simm.s32 @p0 $0x1  }
0x13: {  	[smem:$0x3FA6] =	sst s0;
	s0 =	simm.s32 @!p1 $0x0  }
0x14: {  	s2 =	sld [smem:$0x3F8A];
	s0 =	simm.s32 @p1 $0x1  }
0x15: {  	[smem:$0x3FA7] =	sst s0;
	s0 =	simm.s32 @!p2 $0x0  }
0x16: {  	s3 =	sld [smem:$0x3FDB];
	s0 =	simm.s32 @p2 $0x1  }
0x17: {  	s4 =	simm.s32 $0x1BF5;
	[smem:$0x3FA9] =	sst s0  }
0x18: {  	s0 =	sld [smem:$0x3F8C];
	_ =	swait.ge [sflag:s4], $0x0  }
0x19: {  	s7 =	sld [smem:$0x3F8D]  }
0x1a: {  	s8 =	sadd.s32 $0xFFFFE003, lr  }
0x1b: {  	s9 =	sadd.s32 $0xFFFFFEF7, lr;
	s5 =	simm.s32 $0xFFFFFFFF;
	p2 =	slt.u32 s8, $0xFFFFF086  }
0x1c: {  	p1 =	slt.u32 s9, $0xF7A;
	s5 =	simm.s32 @!p2 $0x0  }
0x1d: {  	s5 =	simm.s32 @p1 $0x1;
	p0 =	seq.s32 s7, s2  }
0x1e: {  	s7 =	smul.u32 @!p0 $0xF7A, s2;
	p2 =	seq.s32 @!p0 s5, $0x0  }
0x1f: {  	s9 =	smul.u32 $0xF7A, s1;
	s8 =	simm.s32 @!p0 $0x1BF5;
	p2 =	por !p2, p0  }
0x20: {  	[sflag:s8] =	ssyncset.s32 @!p0 $0xFFFFF086;
	s6 =	sadd.s32 @!p0 s3, s7;
	s7 =	simm.s32 @!p0 $0x108  }
0x21: {  	s3 =	sadd.s32 s3, s9;
	s6 =	sadd.s32 @!p0 $0x88, s6;
	s7 =	simm.s32 @p2 $0x1082  }
0x22: {  	[simem:s7], [sflag:s8] =	dma.local @!p0 [hbm:s6], $0xF7A  }
0x23: {  	s9 =	sor.u32 $0xD0000000, s2;
	s6 =	simm.s32 $0x108;
	_ =	swait.ge @!p0 [sflag:s8], $0x0  }
0x24: {  	s3 =	sadd.s32 $0x88, s3;
	s6 =	simm.s32 @!p1 $0x1082;
	[sflag:s4] =	ssyncset.s32 $0xFFFFF086  }
0x25: {  	[simem:s6], [sflag:s4] =	dma.local [hbm:s3], $0xF7A  }
0x26: {  	[smem:$0x3F8D] =	sst s1;
	(tag) =	ssettag s2;
	_ =	strace s9  }
0x27: {  	s1 =	sld [smem:$0x3F9D]  }
0x28: {  	s2 =	sld [smem:$0x3F9E]  }
0x29: {  	s4 =	sld [smem:$0x3FA0]  }
0x2a: {  	p0 =	seq.s32 s5, $0x0;
	s5 =	sld [smem:$0x3FA1]  }
0x2b: {  	s6 =	sld [smem:$0x3FA2]  }
0x2c: {  	s7 =	sld [smem:$0x3FA3]  }
0x2d: {  	s3 =	simm.s32 $0x108;
	s8 =	sld [smem:$0x3FA4]  }
0x2e: {  	s3 =	simm.s32 @!p0 $0x1082;
	s9 =	sld [smem:$0x3FA5]  }
0x2f: {  	lr =	sadd.s32 s0, s3;
	s0 =	sld [smem:$0x3F9C]  }
0x30: {  	s3 =	sld [smem:$0x3F9F]  }
0x31: {  	[smem:$0x3FA8] =	sst s10  }
0x32: {  	s10 =	sld [smem:$0x3FA6];
	_ =	sdelay $0x3  }
0x33: {  	p0 =	seq.s32 s10, $0x1;
	s10 =	sld [smem:$0x3FA8];
	_ =	sdelay $0x3  }
0x34: {  	[smem:$0x3FA8] =	sst s10  }
0x35: {  	s10 =	sld [smem:$0x3FA7];
	_ =	sdelay $0x3  }
0x36: {  	p1 =	seq.s32 s10, $0x1;
	s10 =	sld [smem:$0x3FA8];
	_ =	sdelay $0x3  }
0x37: {  	[smem:$0x3FA8] =	sst s10  }
0x38: {  	s10 =	sld [smem:$0x3FA9]  }
0x39: {  	_ = 	snop;
	(pc) =	sbr.ind lr, $3  }
0x3a: {  	_ = 	snop  }
0x3b: {  	_ = 	snop  }
0x3c: {  	p2 =	seq.s32 s10, $0x1;
	s10 =	sld [smem:$0x3FA8]  }
0x3d: {  	_ =	shalt  }
0x3e: {  	_ =	shalt  }
0x3f: {  	_ =	shalt  }
0x40: {  	_ =	shalt  }
0x41: {  	_ =	shalt  }
0x42: {  	_ =	shalt  }
0x43: {  	_ =	shalt  }
0x44: {  	_ =	shalt  }
0x45: {  	_ =	shalt  }
0x46: {  	_ =	shalt  }
0x47: {  	_ =	shalt  }
0x48: {  	_ =	shalt  }
0x49: {  	_ =	shalt  }
0x4a: {  	_ =	shalt  }
0x4b: {  	_ =	shalt  }
0x4c: {  	_ =	shalt  }
0x4d: {  	_ =	shalt  }
0x4e: {  	_ =	shalt  }
0x4f: {  	_ =	shalt  }
0x50: {  	_ =	shalt  }
0x51: {  	_ =	shalt  }
0x52: {  	_ =	shalt  }
0x53: {  	_ =	shalt  }
0x54: {  	_ =	shalt  }
0x55: {  	_ =	shalt  }
0x56: {  	_ =	shalt  }
0x57: {  	_ =	shalt  }
0x58: {  	_ =	shalt  }
0x59: {  	_ =	shalt  }
0x5a: {  	_ =	shalt  }
0x5b: {  	_ =	shalt  }
0x5c: {  	_ =	shalt  }
0x5d: {  	_ =	shalt  }
0x5e: {  	_ =	shalt  }
0x5f: {  	_ =	shalt  }
0x60: {  	_ =	shalt  }
0x61: {  	_ =	shalt  }
0x62: {  	_ =	shalt  }
0x63: {  	_ =	shalt  }
0x64: {  	_ =	shalt  }
0x65: {  	_ =	shalt  }
0x66: {  	_ =	shalt  }
0x67: {  	_ =	shalt  }
0x68: {  	_ =	shalt  }
0x69: {  	_ =	shalt  }
0x6a: {  	_ =	shalt  }
0x6b: {  	_ =	shalt  }
0x6c: {  	_ =	shalt  }
0x6d: {  	_ =	shalt  }
0x6e: {  	_ =	shalt  }
0x6f: {  	_ =	shalt  }
0x70: {  	_ =	shalt  }
0x71: {  	_ =	shalt  }
0x72: {  	_ =	shalt  }
0x73: {  	_ =	shalt  }
0x74: {  	_ =	shalt  }
0x75: {  	_ =	shalt  }
0x76: {  	_ =	shalt  }
0x77: {  	_ =	shalt  }
0x78: {  	_ =	shalt  }
0x79: {  	_ =	shalt  }
0x7a: {  	_ =	shalt  }
0x7b: {  	_ =	shalt  }
0x7c: {  	_ =	shalt  }
0x7d: {  	_ =	shalt  }
0x7e: {  	_ =	shalt  }
0x7f: {  	_ =	shalt  }
0x80: {  	_ =	shalt  }
0x81: {  	_ =	shalt  }
0x82: {  	_ =	shalt  }
0x83: {  	_ =	shalt  }
0x84: {  	_ =	shalt  }
0x85: {  	_ =	shalt  }
0x86: {  	_ =	shalt  }
0x87: {  	_ =	shalt  }
.Lfunc_end0:
.L_simem_size_0:
called_computation_lowered:
.L_overlay_start_0:
0x88: {  	s2 =	sld [smem:$0x3FD9]  }
0x89: {  	s3 =	sld [smem:$0x3FFE];
	_ =	sdelay $0x1  }
0x8a: {  	s1 =	srdreg.scid  }
0x8b: {  	s0 =	sand.u32 $0x1, s1  }
0x8c: {  	s16 =	sshll.u32 s0, $0xA;
	s2 =	sadd.s32 s3, s2  }
0x8d: {  	s2 =	sadd.s32 s2, s16  }
0x8e: {  	[smem:$0x3FB4] =	sst s2  }
0x8f: {  	_ = 	snop  }
0x90: {  	(tm) =	ssettm $0x1  }
0x91: {  	s17 =	sld [smem:$0x3FFB];
	_ =	sdelay $0x3  }
0x92: {  	_ =	strace s17  }
0x93: {  	s2 =	sld [smem:$0x3FFC];
	_ =	sdelay $0x3  }
0x94: {  	_ =	strace s2  }
0x95: {  	s2 =	sld [smem:$0x3FFD];
	_ =	sdelay $0x3  }
0x96: {  	_ =	strace s2  }
0x97: {  	_ =	strace $0x8FFFFFFF  }
0x98: {  	s18 =	sld [smem:$0x3FDB];
	_ =	sdelay $0x1  }
0x99: {  	s19 =	simm.s32 $_scs_section_size  }
0x9a: {  	s4 =	simm.s32 $_size__tile_overlayer_lowered;
	s5 =	simm.s32 $_tile_overlayer_lowered  }
0x9b: {  	s22 =	simm.s32 $0x1BFF;
	s21 =	sshll.u32 s5, $0x1;
	s2 =	sadd.s32 s19, s18  }
0x9c: {  	s6 =	simm.s32 $0x0;
	s20 =	sshll.u32 s4, $0x1;
	s4 =	sadd.s32 s21, s2  }
0x9d: {  	[timem:s6], [sflag:s22] =	dma.local [hbm:s4], s20  }
0x9e: {  	_ =	swait.ge [sflag:s22], s20  }
0x9f: {  	s3 =	ssub.s32 $0x0, s20;
	[sflag:s22] =	ssyncset.done $0x0  }
0xa0: {  	[sflag:s22] =	ssyncadd.s32 s3;
	_ =	sdelay $0x1  }
0xa1: {  	s23 =	simm.s32 $0x1B8B  }
0xa2: {  	_ =	swait.ge [sflag:s23], $0x1  }
0xa3: {  	[sflag:s23] =	ssyncset.done $0x0  }
0xa4: {  	s25 =	simm.s32 $0x1B8E;
	s24 =	sld [smem:$0x3FFE];
	[sflag:s23] =	ssyncadd.s32 $0xFFFFFFFF  }
0xa5: {  	s26 =	simm.s32 $execute0_lowered;
	[smem:$0x3FD2] =	sst s25  }
0xa6: {  	s4 =	sshll.u32 s26, $0x1;
	_ =	strace $0x80000046;
	[dreg:$0x1] =	wrdreg $0xFFFFFFFF  }
0xa7: {  	s28 =	simm.s32 $_size_execute0_lowered;
	s2 =	sadd.s32 s2, s4;
	[dreg:$0x0] =	wrdreg $0x0  }
0xa8: {  	s4 =	sshll.u32 s28, $0x1;
	[dreg:$0x2] =	wrdreg s2  }
0xa9: {  	[dreg:$0x3] =	wrdreg s4  }
0xaa: {  	[dreg:$0x4] =	wrdreg $0xC0  }
0xab: {  	_ =	task [dreg:s6], $0x5FFFF  }
0xac: {  	[dreg:$0x1] =	wrdreg $0xFFFFFFFF  }
0xad: {  	[dreg:$0x0] =	wrdreg $0x60  }
0xae: {  	[dreg:$0x2] =	wrdreg s24  }
0xaf: {  	[dreg:$0x3] =	wrdreg $0x13D000  }
0xb0: {  	[dreg:$0x4] =	wrdreg $0x9  }
0xb1: {  	_ =	task.clear_ibuf [dreg:s6], $0x5FFFF;
	_ =	strace $0x90000046  }
0xb2: {  	s29 =	simm.s32 $0x9;
	_ =	strace $0x80000048  }
0xb3: {  	_ =	swait.ge [sflag:s29], $0x1  }
0xb4: {  	[sflag:s29] =	ssyncadd.s32 $0xFFFFFFFF  }
0xb5: {  	_ =	strace $0x90000048  }
0xb6: {  	_ =	sfence  }
0xb7: {  	s30 =	sld [smem:$0x0];
	_ =	sdelay $0x2  }
0xb8: {  	s31 =	sshll.u32 s1, $0xD;
	s1 =	sshrl.u32 s1, $0x2  }
0xb9: {  	s3 =	sand.u32 $0x4000, s31;
	s1 =	sadd.s32 s1, s30  }
0xba: {  	s0 =	sor.u32 s3, s0;
	s1 =	sshll.u32 s1, $0x11  }
0xbb: {  	s0 =	sor.u32 s1, s0  }
0xbc: {  	s0 =	sadd.s32 $0x8F2B, s0  }
0xbd: {  	[sflag:s0] =	ssyncadd.remote.s32 $0x1  }
0xbe: {  	_ =	sfence.sel $0xFFFF  }
0xbf: {  	[dreg:$0x0] =	wrdreg $0xFFFFFFFF;
	(pc) =	sbr.abs _section_cstart, $3  }
0xc0: {  	[dreg:$0x1] =	wrdreg $0xFFFFFFFF  }
0xc1: {  	_ =	task.clear_ibuf [dreg:s6], $0x2FFFF;
	_ =	strace $0x9FFFFFFF  }
0xc2: {  	(tm) =	ssettm $0x7FFFFFFF  }
0xc3: {  	_ =	shalt  }
tec
execute0_lowered:
.L_overlay_start_1:
0x0: {  	(tag) =	ssettag $0x1  }
0x1: {  	s4 =	rddreg [dreg:$0x0]  }
0x2: {  	s2 =	rddreg [dreg:$0x1]  }
0x3: {  	s0 =	rddreg [dreg:$0x2]  }
0x4: {  	s5 =	srdreg.scid;
	s3 =	simm.s32 $0x0;
	s1 =	stileid.u32  }
0x5: {  	s14 =	simm.s32 $0x1;
	s15 =	simm.s32 $0x2900;
	s16 =	simm.s32 $0x5200  }
0x6: {  	s17 =	simm.s32 $0x7B00;
	s18 =	simm.s32 $0xFC00;
	s19 =	simm.s32 $0x80  }
0x7: {  	s20 =	simm.s32 $0x13C00;
	s21 =	simm.s32 $0x13C80;
	s22 =	simm.s32 $0x0  }
0x8: {  	s11 =	sand.u32 $0x1, s5;
	[smem:$0x7FF] =	sst s3;
	s31 =	smul.u32 $0x520, s1  }
0x9: {  	s6 =	ssub.s32 $0x2, s11;
	_ =	strace $0x80000047;
	s11 =	sshll.u32 s11, $0x13  }
0xa: {  	s7 =	sshrl.u32 s6, $0x1;
	s9 =	sadd.s32 s31, s4;
	s4 =	sadd.s32 $0x17600, s4  }
0xb: {  	s12 =	ssub.s32 s6, s7;
	s5 =	sadd.s32 $0xD200, s9;
	s7 =	sshll.u32 s1, $0xF  }
0xc: {  	v0 =	vlaneseq.u32;
	s6 =	sadd.s32 $0x12400, s9;
	s8 =	sadd.s32 $0x2E00, s9;
	s10 =	sadd.s32 s7, s2  }
0xd: {  	v1 =	vimm.f32 $0.0e+00;
	v2 =	vimm.s32 $0x0;
	s9 =	sadd.s32 $0x8000, s9;
	s12 =	smax.u32 s12, $0x1;
	v0 =	vor.u32 s7, v0;
	s13 =	sadd.s32 $0x4000, s10  }
.LBB2_1:
0xe: {  	[tilespmem:s3], [sflag:$0x1] =	stream.linear.gather [hbm4b:s5+s3], $0x2900, $0x38;
	[tilespmem:$0x1BD00] =	vst v63  }
0xf: {  	_ =	swait.ge [sflag:s14], $0x2900  }
0x10: {  	[sflag:s14] =	ssyncset.done $0x0  }
0x11: {  	[sflag:s14] =	ssyncadd.s32 $0xFFFFD700  }
0x12: {  	[tilespmem:s15], [sflag:$0x1] =	stream.linear.gather [hbm4b:s6+s3], $0x2900, $0x38;
	[tilespmem:$0x1BD00] =	vst v63  }
0x13: {  	_ =	swait.ge [sflag:s14], $0x2900  }
0x14: {  	[sflag:s14] =	ssyncset.done $0x0  }
0x15: {  	[sflag:s14] =	ssyncadd.s32 $0xFFFFD700  }
0x16: {  	[tilespmem:s16], [sflag:$0x1] =	stream.linear.gather [hbm4b:s8+s3], $0x2900, $0x38;
	[tilespmem:$0x1BD00] =	vst v63  }
0x17: {  	_ =	swait.ge [sflag:s14], $0x2900  }
0x18: {  	[sflag:s14] =	ssyncset.done $0x0  }
0x19: {  	[sflag:s14] =	ssyncadd.s32 $0xFFFFD700  }
0x1a: {  	[tilespmem:s17], [sflag:$0x1] =	stream.linear.gather [hbm4b:s9+s3], $0x2900, $0x38;
	[tilespmem:$0x1BD00] =	vst v63  }
0x1b: {  	_ =	swait.ge [sflag:s14], $0x2900  }
0x1c: {  	[sflag:s14] =	ssyncset.done $0x0  }
0x1d: {  	s23 =	simm.s32 $0x0;
	[sflag:s14] =	ssyncadd.s32 $0xFFFFD700  }
0x1e: {  	v3 =	vld [tilespmem:s23+$0x7B00]  }
0x1f: {  	s24 =	simm.s32 $0x40;
	v4 =	vld [tilespmem:s23+$0x5200]  }
.LBB2_2:
0x20: {  	p0 =	sne.s32 s24, $0xA3C0;
	v5 =	vld [tilespmem:s23+$0x0]  }
0x21: {  	v6 =	vld [tilespmem:s23+$0x2900];
	_ =	sdelay $0x1  }
.Ltmp0:
0x22: {  	(pc) =	sbr.rel @p0 .LBB2_2-.Ltmp0, $4  }
0x23: {  	v4 =	vmul.f32 v3, v4  }
0x24: {  	s25 =	sshra.s32 s24, $0x2;
	v5 =	vshll.u32 v5, $0xC  }
0x25: {  	v3 =	vld [tilespmem:s25+$0x7B00];
	v5 =	vadd.s32 v6, v5;
	[tilespmem:s23+$0x5200] =	vst v4  }
0x26: {  	s24 =	sadd.s32 $0x40, s24;
	v4 =	vld [tilespmem:s25+$0x5200];
	[tilespmem:s23+$0x0] =	vst v5;
	s23 =	smov.u32 s25  }
0x27: {  	v5 =	vld [tilespmem:s23+$0x0]  }
0x28: {  	v6 =	vld [tilespmem:s23+$0x2900];
	_ =	sdelay $0x2  }
0x29: {  	v3 =	vmul.f32 v3, v4  }
0x2a: {  	v63 =	vshll.u32 v5, $0xC  }
0x2b: {  	v4 =	vadd.s32 v6, v63;
	[tilespmem:s23+$0x5200] =	vst v3  }
0x2c: {  	s24 =	simm.s32 $0x0;
	[tilespmem:s23+$0x0] =	vst v4;
	s23 =	simm.s32 $0x40  }
.LBB2_4:
0x2d: {  	p0 =	sne.s32 s23, $0xFFC0;
	[tilespmem:s24+$0xFC00] =	vst v1;
	s24 =	smov.u32 s23;
	s23 =	sadd.s32 $0x40, s23  }
.Ltmp1:
0x2e: {  	(pc) =	sbr.rel @p0 .LBB2_4-.Ltmp1, $2  }
0x2f: {  	_ =	sdelay $0x2  }
0x30: {  	s24 =	sshra.s32 s24, $0x2  }
0x31: {  	[tilespmem:s24+$0xFC00] =	vst v1  }
0x32: {  	[tilespmem:$0x13C00] =	vst v2  }
0x33: {  	[tilespmem:$0x13C80] =	vst v1  }
0x34: {  	[tilespmem:$0x13C10] =	vst v2  }
0x35: {  	[tilespmem:$0x13C90] =	vst v1  }
0x36: {  	[tilespmem:$0x13C20] =	vst v2  }
0x37: {  	[tilespmem:$0x13CA0] =	vst v1  }
0x38: {  	[tilespmem:$0x13C30] =	vst v2  }
0x39: {  	[tilespmem:$0x13CB0] =	vst v1  }
0x3a: {  	[tilespmem:$0x13C40] =	vst v2  }
0x3b: {  	[tilespmem:$0x13CC0] =	vst v1  }
0x3c: {  	[tilespmem:$0x13C50] =	vst v2  }
0x3d: {  	[tilespmem:$0x13CD0] =	vst v1  }
0x3e: {  	[tilespmem:$0x13C60] =	vst v2  }
0x3f: {  	[tilespmem:$0x13CE0] =	vst v1  }
0x40: {  	[tilespmem:$0x13C70] =	vst v2  }
0x41: {  	s23 =	simm.s32 $0x0;
	[tilespmem:$0x13CF0] =	vst v1  }
.LBB2_6:
0x42: {  	[spmem:s10] =	stream.linear.scatter [tilespmem:s18], [sflag:$0x1], $0x4000, $0x38;
	[tilespmem:$0x1BD00] =	vst v63  }
0x43: {  	_ =	swait.ge [sflag:s14], $0x4000  }
0x44: {  	[sflag:s14] =	ssyncset.done $0x0  }
0x45: {  	[sflag:s14] =	ssyncadd.s32 $0xFFFFC000  }
0x46: {  	[spmem:s13] =	stream.linear.scatter [tilespmem:s18], [sflag:$0x1], $0x4000, $0x38;
	[tilespmem:$0x1BD00] =	vst v63  }
0x47: {  	_ =	swait.ge [sflag:s14], $0x4000  }
0x48: {  	[sflag:s14] =	ssyncset.done $0x0  }
0x49: {  	[sflag:s14] =	ssyncadd.s32 $0xFFFFC000  }
0x4a: {  	s25 =	simm.s32 $0x70;
	[bflag:$0x0] =	sbarrier.arrive $0xFFFF  }
0x4b: {  	v5 =	vld [tilespmem:s25+$0xFFFFFF90]  }
0x4c: {  	v4 =	vld [tilespmem:s25+$0x0]  }
0x4d: {  	s24 =	sshll.u32 s23, $0x14;
	v6 =	vld [tilespmem:s25+$0x5200]  }
0x4e: {  	s24 =	sor.u32 s11, s24;
	v7 =	vld [tilespmem:s25+$0xFFFFFFA0]  }
0x4f: {  	v3 =	vmov s24;
	v8 =	vld [tilespmem:s25+$0xFFFFFFB0]  }
0x50: {  	v5 =	vsub.s32 v5, v3  }
0x51: {  	v9 =	vld [tilespmem:s25+$0xFFFFFFC0];
	v4 =	vsub.s32 v4, v3;
	vm3 =	vlt.u32 v5, $0x80000  }
0x52: {  	v10 =	vld [tilespmem:s25+$0xFFFFFFD0];
	vm0 =	vlt.u32 v4, $0x80000;
	v5 =	vsel vm3, v5, v0  }
0x53: {  	v11 =	vld [tilespmem:s25+$0xFFFFFFE0];
	v6 =	vnsel vm0, $0x0, v6;
	[tilespmem:s25+$0xA390] =	vst v5;
	v5 =	vsub.s32 v7, v3  }
0x54: {  	v12 =	vld [tilespmem:s25+$0xFFFFFFF0];
	v4 =	vsel vm0, v4, v0;
	[tilespmem:s25+$0xD000] =	vst v6;
	v6 =	vsub.s32 v8, v3;
	vm5 =	vlt.u32 v5, $0x80000  }
0x55: {  	v7 =	vld [tilespmem:s25+$0x5190];
	[tilespmem:s25+$0xA400] =	vst v4;
	vm0 =	vlt.u32 v6, $0x80000;
	v5 =	vsel vm5, v5, v0  }
0x56: {  	v13 =	vld [tilespmem:s25+$0x51A0];
	v6 =	vsel vm0, v6, v0;
	[tilespmem:s25+$0xA3A0] =	vst v5;
	v5 =	vsub.s32 v9, v3  }
0x57: {  	v4 =	vld [tilespmem:s25+$0x51B0];
	[tilespmem:s25+$0xA3B0] =	vst v6;
	v6 =	vsub.s32 v10, v3;
	vm1 =	vlt.u32 v5, $0x80000  }
0x58: {  	vm2 =	vlt.u32 v6, $0x80000;
	v8 =	vsel vm1, v5, v0;
	v5 =	vld [tilespmem:s25+$0x51C0]  }
0x59: {  	v9 =	vsub.s32 v11, v3;
	v10 =	vsub.s32 v12, v3;
	[tilespmem:s25+$0xA3C0] =	vst v8;
	v8 =	vsel vm2, v6, v0;
	v6 =	vld [tilespmem:s25+$0x51D0]  }
0x5a: {  	vm4 =	vlt.u32 v9, $0x80000;
	v7 =	vnsel vm3, $0x0, v7;
	vm3 =	vlt.u32 v10, $0x80000;
	[tilespmem:s25+$0xA3D0] =	vst v8;
	v8 =	vld [tilespmem:s25+$0x51E0]  }
0x5b: {  	s26 =	simm.s32 $0xF0;
	s28 =	simm.s32 $0x5C0;
	v11 =	vnsel vm5, $0x0, v13;
	v9 =	vsel vm4, v9, v0;
	[tilespmem:s25+$0xCF90] =	vst v7;
	v7 =	vsel vm3, v10, v0;
	v10 =	vld [tilespmem:s25+$0x51F0]  }
.LBB2_7:
0x5c: {  	p0 =	sne.s32 s28, $0xA3C0;
	v12 =	vld [tilespmem:s26+$0x0];
	[tilespmem:s25+$0xCFA0] =	vst v11;
	v4 =	vnsel vm0, $0x0, v4  }
0x5d: {  	v11 =	vld [tilespmem:s26+$0xFFFFFF90];
	[tilespmem:s25+$0xCFB0] =	vst v4;
	v4 =	vnsel vm1, $0x0, v5  }
0x5e: {  	v5 =	vld [tilespmem:s26+$0x5200];
	[tilespmem:s25+$0xCFC0] =	vst v4;
	v4 =	vnsel vm2, $0x0, v6  }
0x5f: {  	v6 =	vld [tilespmem:s26+$0xFFFFFFA0];
	[tilespmem:s25+$0xCFD0] =	vst v4;
	v4 =	vnsel vm4, $0x0, v8  }
0x60: {  	v8 =	vld [tilespmem:s26+$0xFFFFFFB0];
	[tilespmem:s25+$0xA3E0] =	vst v9;
	v9 =	vnsel vm3, $0x0, v10  }
0x61: {  	v10 =	vld [tilespmem:s26+$0xFFFFFFC0];
	v12 =	vsub.s32 v12, v3;
	[tilespmem:s25+$0xCFE0] =	vst v4  }
0x62: {  	v4 =	vsub.s32 v11, v3;
	v11 =	vld [tilespmem:s26+$0xFFFFFFD0];
	vm0 =	vlt.u32 v12, $0x80000;
	[tilespmem:s25+$0xA3F0] =	vst v7  }
0x63: {  	vm3 =	vlt.u32 v4, $0x80000;
	v7 =	vld [tilespmem:s26+$0xFFFFFFE0];
	v12 =	vsel vm0, v12, v0;
	v5 =	vnsel vm0, $0x0, v5;
	[tilespmem:s25+$0xCFF0] =	vst v9;
	s25 =	smov.u32 s26  }
0x64: {  	v4 =	vsel vm3, v4, v0;
	v6 =	vsub.s32 v6, v3;
	v9 =	vld [tilespmem:s25+$0xFFFFFFF0];
	[tilespmem:s25+$0xD000] =	vst v5  }
0x65: {  	[tilespmem:s25+$0xA390] =	vst v4;
	v13 =	vld [tilespmem:s25+$0x5190];
	vm5 =	vlt.u32 v6, $0x80000;
	v4 =	vsub.s32 v8, v3  }
0x66: {  	v5 =	vsel vm5, v6, v0;
	v14 =	vld [tilespmem:s25+$0x51A0];
	vm0 =	vlt.u32 v4, $0x80000;
	v6 =	vsub.s32 v10, v3;
	[tilespmem:s25+$0xA400] =	vst v12  }
.Ltmp2:
0x67: {  	[tilespmem:s25+$0xA3A0] =	vst v5;
	v5 =	vsel vm0, v4, v0;
	v4 =	vld [tilespmem:s25+$0x51B0];
	vm1 =	vlt.u32 v6, $0x80000;
	v8 =	vsub.s32 v11, v3;
	(pc) =	sbr.rel @p0 .LBB2_7-.Ltmp2, $4  }
0x68: {  	[tilespmem:s25+$0xA3B0] =	vst v5;
	v6 =	vsel vm1, v6, v0;
	v5 =	vld [tilespmem:s25+$0x51C0];
	vm2 =	vlt.u32 v8, $0x80000;
	v7 =	vsub.s32 v7, v3  }
0x69: {  	[tilespmem:s25+$0xA3C0] =	vst v6;
	v8 =	vsel vm2, v8, v0;
	v6 =	vld [tilespmem:s25+$0x51D0];
	vm4 =	vlt.u32 v7, $0x80000;
	v10 =	vsub.s32 v9, v3  }
0x6a: {  	v11 =	vnsel vm3, $0x0, v13;
	[tilespmem:s25+$0xA3D0] =	vst v8;
	v9 =	vsel vm4, v7, v0;
	v8 =	vld [tilespmem:s25+$0x51E0];
	vm3 =	vlt.u32 v10, $0x80000  }
0x6b: {  	s26 =	sshra.s32 s28, $0x2;
	s28 =	sadd.s32 $0x200, s28;
	[tilespmem:s25+$0xCF90] =	vst v11;
	v11 =	vnsel vm5, $0x0, v14;
	v7 =	vsel vm3, v10, v0;
	v10 =	vld [tilespmem:s25+$0x51F0]  }
0x6c: {  	v12 =	vld [tilespmem:s26+$0x0];
	[tilespmem:s25+$0xCFA0] =	vst v11;
	v4 =	vnsel vm0, $0x0, v4  }
0x6d: {  	v11 =	vld [tilespmem:s26+$0xFFFFFF90];
	[tilespmem:s25+$0xCFB0] =	vst v4;
	v38 =	vnsel vm1, $0x0, v5  }
0x6e: {  	v39 =	vld [tilespmem:s26+$0x5200];
	[tilespmem:s25+$0xCFC0] =	vst v38;
	v40 =	vnsel vm2, $0x0, v6  }
0x6f: {  	v41 =	vld [tilespmem:s26+$0xFFFFFFA0];
	[tilespmem:s25+$0xCFD0] =	vst v40  }
0x70: {  	v8 =	vnsel vm4, $0x0, v8;
	v4 =	vld [tilespmem:s26+$0xFFFFFFB0];
	[tilespmem:s25+$0xA3E0] =	vst v9  }
0x71: {  	v9 =	vld [tilespmem:s26+$0xFFFFFFC0];
	[tilespmem:s25+$0xCFE0] =	vst v8;
	v43 =	vsub.s32 v12, v3  }
0x72: {  	v42 =	vnsel vm3, $0x0, v10;
	v8 =	vld [tilespmem:s26+$0xFFFFFFD0];
	[tilespmem:s25+$0xA3F0] =	vst v7;
	vm8 =	vlt.u32 v43, $0x80000  }
0x73: {  	v11 =	vsub.s32 v11, v3;
	v44 =	vld [tilespmem:s26+$0xFFFFFFE0];
	[tilespmem:s25+$0xCFF0] =	vst v42;
	v5 =	vnsel vm8, $0x0, v39  }
0x74: {  	vm9 =	vlt.u32 v11, $0x80000;
	v10 =	vsel vm8, v43, v0;
	[tilespmem:s26+$0xD000] =	vst v5;
	v45 =	vsub.s32 v41, v3  }
0x75: {  	v11 =	vsel vm9, v11, v0;
	v46 =	vld [tilespmem:s26+$0x5190];
	[tilespmem:s26+$0xA400] =	vst v10;
	vm10 =	vlt.u32 v45, $0x80000;
	v4 =	vsub.s32 v4, v3  }
0x76: {  	v47 =	vld [tilespmem:s26+$0x51A0];
	[tilespmem:s26+$0xA390] =	vst v11;
	v5 =	vsel vm10, v45, v0;
	vm11 =	vlt.u32 v4, $0x80000;
	v48 =	vsub.s32 v9, v3  }
0x77: {  	v49 =	vld [tilespmem:s26+$0x51B0];
	[tilespmem:s26+$0xA3A0] =	vst v5;
	v4 =	vsel vm11, v4, v0;
	vm12 =	vlt.u32 v48, $0x80000;
	v50 =	vsub.s32 v8, v3  }
0x78: {  	v51 =	vld [tilespmem:s26+$0x51C0];
	[tilespmem:s26+$0xA3B0] =	vst v4;
	v5 =	vsel vm12, v48, v0;
	vm13 =	vlt.u32 v50, $0x80000  }
0x79: {  	v52 =	vld [tilespmem:s26+$0x51D0];
	[tilespmem:s26+$0xA3C0] =	vst v5;
	v4 =	vsel vm13, v50, v0  }
0x7a: {  	v7 =	vld [tilespmem:s26+$0xFFFFFFF0];
	v53 =	vnsel vm9, $0x0, v46;
	[tilespmem:s26+$0xA3D0] =	vst v4  }
0x7b: {  	v54 =	vld [tilespmem:s26+$0x51E0];
	v55 =	vnsel vm10, $0x0, v47;
	[tilespmem:s26+$0xCF90] =	vst v53  }
0x7c: {  	v57 =	vnsel vm11, $0x0, v49;
	[tilespmem:s26+$0xCFA0] =	vst v55  }
0x7d: {  	v56 =	vld [tilespmem:s26+$0x51F0];
	v58 =	vsub.s32 v44, v3;
	v59 =	vnsel vm12, $0x0, v51;
	[tilespmem:s26+$0xCFB0] =	vst v57  }
0x7e: {  	vm14 =	vlt.u32 v58, $0x80000;
	v60 =	vnsel vm13, $0x0, v52;
	[tilespmem:s26+$0xCFC0] =	vst v59  }
0x7f: {  	v3 =	vsub.s32 v7, v3;
	v61 =	vsel vm14, v58, v0;
	[tilespmem:s26+$0xCFD0] =	vst v60  }
0x80: {  	vm15 =	vlt.u32 v3, $0x80000;
	v62 =	vnsel vm14, $0x0, v54;
	[tilespmem:s26+$0xA3E0] =	vst v61  }
0x81: {  	v3 =	vsel vm15, v3, v0;
	[tilespmem:s26+$0xCFE0] =	vst v62  }
0x82: {  	v63 =	vnsel vm15, $0x0, v56;
	[tilespmem:s26+$0xA3F0] =	vst v3  }
0x83: {  	s30 =	simm.s32 $0xD000;
	s31 =	simm.s32 $0xA400;
	[tilespmem:s26+$0xCFF0] =	vst v63  }
0x84: {  	[spmem:s2] =	stream.indirect.scatter.add.f32 [tilespmem:s30], [sflag:$0x1], $0x1, s31, s19, $0xb8;
	[tilespmem:$0x1BD00] =	vst v63  }
0x85: {  	s25 =	simm.s32 $0x200;
	_ =	swait.ge [sflag:s14], $0x80  }
.LBB2_9:
0x86: {  	s26 =	sshra.s32 s25, $0x2  }
0x87: {  	[sflag:s14] =	ssyncset.done $0x0;
	p0 =	sne.s32 s25, $0xA200;
	s28 =	sadd.s32 $0xD000, s26  }
.Ltmp3:
0x88: {  	s26 =	sadd.s32 $0xA400, s26;
	[sflag:s14] =	ssyncadd.s32 $0xFFFFFF80;
	(pc) =	sbr.rel @p0 .LBB2_9-.Ltmp3, $3  }
0x89: {  	[spmem:s2] =	stream.indirect.scatter.add.f32 [tilespmem:s28], [sflag:$0x1], $0x1, s26, s19, $0xb8;
	[tilespmem:$0x1BD00] =	vst v63  }
0x8a: {  	s25 =	sadd.s32 $0x200, s25;
	_ =	sdelay $0x1  }
0x8b: {  	_ =	swait.ge [sflag:s14], $0x80  }
0x8c: {  	[sflag:s14] =	ssyncset.done $0x0  }
0x8d: {  	s24 =	sor.u32 s7, s24;
	[sflag:s14] =	ssyncadd.s32 $0xFFFFFF80  }
0x8e: {  	[spmem:s2] =	stream.indirect.scatter.add.f32 [tilespmem:s21], [sflag:$0x1], $0x1, s20, s19, $0xb8;
	[tilespmem:$0x1BD00] =	vst v63  }
0x8f: {  	s25 =	sshll.u32 s1, $0x6;
	s26 =	sshrl.u32 s10, $0x3;
	_ =	swait.ge [sflag:s14], $0x80  }
0x90: {  	s23 =	sadd.s32 $0x1, s23;
	s24 =	sshrl.u32 s24, $0x3;
	[sflag:s14] =	ssyncset.done $0x0  }
0x91: {  	s25 =	sor.u32 $0x1C01, s25;
	p0 =	sne.s32 s23, $0x10;
	[sflag:s14] =	ssyncadd.s32 $0xFFFFFF80  }
.Ltmp4:
0x92: {  	s24 =	sadd.s32 s4, s24;
	[bflag:$0x0] =	sbarrier.arrive $0xFFFF;
	(pc) =	sbr.rel @p0 .LBB2_6-.Ltmp4, $4  }
0x93: {  	[hbm:s24], [sflag:s25] =	dma.local [spmem:s26], $0x1000  }
0x94: {  	_ =	swait.ge [sflag:s14], $0x1000  }
0x95: {  	[sflag:s14] =	ssyncset.done $0x0  }
0x96: {  	[sflag:s14] =	ssyncadd.s32 $0xFFFFF000  }
0x97: {  	s22 =	sadd.s32 $0x1, s22  }
0x98: {  	p0 =	sne.s32 s22, s12  }
.Ltmp5:
0x99: {  	_ = 	snop;
	(pc) =	sbr.rel @p0 .LBB2_1-.Ltmp5, $1  }
0x9a: {  	_ =	sdelay $0x3  }
0x9b: {  	_ =	sfence.sel $0x180000  }
0x9c: {  	[bflag:$0x0] =	sbarrier.arrive $0xFFFF  }
0x9d: {  	p0 =	sne.s32 s1, $0x0;
	_ =	strace $0x90000047  }
0x9e: {  	s0 =	sadd.s32 @!p0 $0x100000, s0;
	[bflag:$0x2] =	sbarrier.arrive $0xFFFF  }
0x9f: {  	[sflag:s0] =	ssyncadd.tile.s32 @!p0 $0x1;
	_ =	shalt  }
.Lfunc_end2:
_tile_overlayer_lowered:
.L_overlay_start_2:
0xa0: {  	(tag) =	ssettag $0x2  }
0xa1: {  	s0 =	rddreg [dreg:$0x0];
	s2 =	stileid.u32  }
0xa2: {  	s1 =	rddreg [dreg:$0x1];
	p0 =	sne.s32 s2, $0x0  }
0xa3: {  	s3 =	rddreg [dreg:$0x2];
	[bflag:$0x3] =	sbarrier.arrive $0xFFFF;
	s2 =	simm.s32 @!p0 $0x1C01  }
0xa4: {  	[timem:s3], [sflag:s2] =	dma.local @!p0 [hbm:s0], s1  }
0xa5: {  	s0 =	simm.s32 @!p0 $0x1  }
0xa6: {  	_ =	swait.ge @!p0 [sflag:s0], s1  }
0xa7: {  	s1 =	ssub.s32 @!p0 $0x0, s1;
	[sflag:s0] =	ssyncset.done @!p0 $0x0  }
0xa8: {  	[sflag:s0] =	ssyncadd.s32 @!p0 s1  }
0xa9: {  	[bflag:$0x3] =	sbarrier.arrive $0xFFFF  }
0xaa: {  	_ =	shalt  }

</sc_bundles>
